<compile_context>
chip_gen: v7x
topology: tpu7x:2x2x1
jax: 0.10.2.dev20260603
libtpu: 0.0.44.dev20260713+nightly
codegen_flags: <defaults>
</compile_context>

<pallas_src>
import functools

import jax
import jax.numpy as jnp
from jax import lax
from jax.experimental import pallas as pl
from jax.experimental.pallas import tpu as pltpu
from jax.experimental.pallas import tpu_sc as plsc

B = 16384
D = 64
EPS = 1e-3
NU = 1000000 + 1
NJ = 100000 + 1

NC = 2
NS = 16
NW = NC * NS
BPW = B // NW
CHUNK = 128
NCHUNK = BPW // CHUNK


def _sc_gather(upidx, jpidx, upair, jpair):
    mesh = plsc.VectorSubcoreMesh(core_axis_name="c", subcore_axis_name="s")

    @functools.partial(
        pl.kernel,
        out_type=(
            jax.ShapeDtypeStruct((B, 2 * D), jnp.float32),
            jax.ShapeDtypeStruct((B, 2 * D), jnp.float32),
        ),
        mesh=mesh,
        scratch_types=[
            pltpu.VMEM((NCHUNK, CHUNK), jnp.int32),
            pltpu.VMEM((NCHUNK, CHUNK), jnp.int32),
            pltpu.VMEM((BPW, 2 * D), jnp.float32),
            pltpu.SemaphoreType.DMA,
        ],
    )
    def gather_kernel(uid_hbm, jid_hbm, utab_hbm, jtab_hbm,
                      uout_hbm, jout_hbm, uidx_v, jidx_v, rows_v, sem):
        wid = lax.axis_index("s") * NC + lax.axis_index("c")
        base = wid * BPW
        for j in range(NCHUNK):
            pltpu.sync_copy(uid_hbm.at[pl.ds(base + j * CHUNK, CHUNK)],
                            uidx_v.at[j])
            pltpu.sync_copy(jid_hbm.at[pl.ds(base + j * CHUNK, CHUNK)],
                            jidx_v.at[j])
        copies = []
        for j in range(NCHUNK):
            copies.append(pltpu.async_copy(
                utab_hbm.at[uidx_v.at[j]],
                rows_v.at[pl.ds(j * CHUNK, CHUNK)], sem))
        for c in copies:
            c.wait()
        pltpu.sync_copy(rows_v, uout_hbm.at[pl.ds(base, BPW)])
        copies = []
        for j in range(NCHUNK):
            copies.append(pltpu.async_copy(
                jtab_hbm.at[jidx_v.at[j]],
                rows_v.at[pl.ds(j * CHUNK, CHUNK)], sem))
        for c in copies:
            c.wait()
        pltpu.sync_copy(rows_v, jout_hbm.at[pl.ds(base, BPW)])

    return gather_kernel(upidx, jpidx, upair, jpair)


def _mlp_body(xu_ref, xj_ref, uid_ref, jid_ref, ulast_ref, jlast_ref,
              w1u_ref, w1j_ref, b1_ref, w2_ref, b2_ref, w3_ref, b3_ref,
              w4_ref, b4_ref, w5_ref, b5_ref, out_ref):
    uid = uid_ref[...]
    jid = jid_ref[...]
    up = (uid & 1).astype(jnp.float32)
    jp = (jid & 1).astype(jnp.float32)
    xu = xu_ref[...]
    xj = xj_ref[...]
    u = xu[:, :D] * (1.0 - up) + xu[:, D:] * up
    j = xj[:, :D] * (1.0 - jp) + xj[:, D:] * jp
    u = jnp.where(uid == NU - 1, ulast_ref[...], u)
    j = jnp.where(jid == NJ - 1, jlast_ref[...], j)
    hp = jax.lax.Precision.HIGHEST
    h = jnp.maximum(
        jnp.dot(u, w1u_ref[...], preferred_element_type=jnp.float32,
                precision=hp)
        + jnp.dot(j, w1j_ref[...], preferred_element_type=jnp.float32,
                  precision=hp)
        + b1_ref[...], 0.0)
    h = jnp.maximum(jnp.dot(h, w2_ref[...],
                            preferred_element_type=jnp.float32,
                            precision=hp) + b2_ref[...], 0.0)
    h = jnp.maximum(jnp.dot(h, w3_ref[...],
                            preferred_element_type=jnp.float32,
                            precision=hp) + b3_ref[...], 0.0)
    h = jnp.maximum(jnp.dot(h, w4_ref[...],
                            preferred_element_type=jnp.float32,
                            precision=hp) + b4_ref[...], 0.0)
    h = jnp.maximum(jnp.dot(h, w5_ref[...],
                            preferred_element_type=jnp.float32,
                            precision=hp) + b5_ref[...], 0.0)
    out_ref[...] = h


def _tc_mlp(xu, xj, uid2, jid2, ulast, jlast,
            W1u, W1j, b1, W2, b2, W3, b3, W4, b4, W5, b5):
    blk = 2048
    grid = (B // blk,)
    full = lambda a: pl.BlockSpec(a.shape, lambda i: (0,) * a.ndim)
    return pl.pallas_call(
        _mlp_body,
        grid=grid,
        in_specs=[
            pl.BlockSpec((blk, 2 * D), lambda i: (i, 0)),
            pl.BlockSpec((blk, 2 * D), lambda i: (i, 0)),
            pl.BlockSpec((blk, 1), lambda i: (i, 0)),
            pl.BlockSpec((blk, 1), lambda i: (i, 0)),
            full(ulast), full(jlast),
            full(W1u), full(W1j), full(b1), full(W2), full(b2),
            full(W3), full(b3), full(W4), full(b4), full(W5), full(b5),
        ],
        out_specs=pl.BlockSpec((blk, 1), lambda i: (i, 0)),
        out_shape=jax.ShapeDtypeStruct((B, 1), jnp.float32),
    )(xu, xj, uid2, jid2, ulast, jlast,
      W1u, W1j, b1, W2, b2, W3, b3, W4, b4, W5, b5)


def kernel(user_ids, joke_ids, user_table, joke_table,
           W1, b1, g1, be1, W2, b2, g2, be2, W3, b3, W4, b4, W5, b5):
    upair = user_table[:NU - 1].reshape((NU - 1) // 2, 2 * D)
    jpair = joke_table[:NJ - 1].reshape((NJ - 1) // 2, 2 * D)
    uid = user_ids.astype(jnp.int32)
    jid = joke_ids.astype(jnp.int32)
    upidx = jnp.minimum(uid, NU - 2) // 2
    jpidx = jnp.minimum(jid, NJ - 2) // 2
    xu, xj = _sc_gather(upidx, jpidx, upair, jpair)
    inv = 1.0 / jnp.sqrt(jnp.float32(1.0 + EPS))
    s1 = g1 * inv
    W2f = s1[:, None] * W2
    b2f = be1 @ W2 + b2
    s2 = g2 * inv
    W3f = s2[:, None] * W3
    b3f = be2 @ W3 + b3
    return _tc_mlp(xu, xj, uid[:, None], jid[:, None],
                   user_table[NU - 1][None, :], joke_table[NJ - 1][None, :],
                   W1[:D], W1[D:], b1[None, :], W2f, b2f[None, :],
                   W3f, b3f[None, :], W4, b4[None, :], W5, b5[None, :])

# --- scband reference (transcript-rebuilt; emitter-appended) ---
"""Pipeline reference for scband-joke-recommender-68813966017025 (READ-ONLY COPY).

The authoritative reference and input builder live on the scoring server;
editing this copy changes nothing except your own understanding.
"""

import jax, jax.numpy as jnp
import numpy as np

B = 16384
D = 64
NU = 1000000 + 1
NJ = 100000 + 1
EPS = 1e-3


def setup_inputs(seed: int = 0) -> dict:
    key = jax.random.key(seed)
    ks = jax.random.split(key, 16)
    inp = {
        "user_ids": jax.random.randint(ks[0], (B,), 0, NU, dtype=jnp.int64) if jax.config.jax_enable_x64 else jax.random.randint(ks[0], (B,), 0, NU, dtype=jnp.int32),
        "joke_ids": jax.random.randint(ks[1], (B,), 0, NJ, dtype=jnp.int32),
        "user_table": jax.random.normal(ks[2], (NU, D), dtype=jnp.float32) * 0.05,
        "joke_table": jax.random.normal(ks[3], (NJ, D), dtype=jnp.float32) * 0.05,
        "W1": jax.random.normal(ks[4], (2 * D, 150), dtype=jnp.float32) * (1.0 / np.sqrt(2 * D)),
        "b1": jnp.zeros((150,), jnp.float32),
        "g1": jnp.ones((150,), jnp.float32),
        "be1": jnp.zeros((150,), jnp.float32),
        "W2": jax.random.normal(ks[5], (150, 100), dtype=jnp.float32) * (1.0 / np.sqrt(150)),
        "b2": jnp.zeros((100,), jnp.float32),
        "g2": jnp.ones((100,), jnp.float32),
        "be2": jnp.zeros((100,), jnp.float32),
        "W3": jax.random.normal(ks[6], (100, 50), dtype=jnp.float32) * (1.0 / np.sqrt(100)),
        "b3": jnp.zeros((50,), jnp.float32),
        "W4": jax.random.normal(ks[7], (50, 20), dtype=jnp.float32) * (1.0 / np.sqrt(50)),
        "b4": jnp.zeros((20,), jnp.float32),
        "W5": jax.random.normal(ks[8], (20, 1), dtype=jnp.float32) * (1.0 / np.sqrt(20)),
        "b5": jnp.zeros((1,), jnp.float32),
    }
    return inp


def reference(user_ids, joke_ids, user_table, joke_table, W1, b1, g1, be1, W2, b2, g2, be2, W3, b3, W4, b4, W5, b5):
    # embedding lookups (SparseCore gather)
    user = jnp.take(user_table, user_ids, axis=0)  # [B, D]
    joke = jnp.take(joke_table, joke_ids, axis=0)  # [B, D]
    # Flatten is a no-op for [B, D]; Dropout inactive at inference
    x = jnp.concatenate([user, joke], axis=-1)  # [B, 2D]
    h = jax.nn.relu(x @ W1 + b1)
    # BatchNormalization (inference: moving_mean=0, moving_var=1)
    h = (h - 0.0) / jnp.sqrt(1.0 + EPS) * g1 + be1
    h = jax.nn.relu(h @ W2 + b2)
    h = (h - 0.0) / jnp.sqrt(1.0 + EPS) * g2 + be2
    h = jax.nn.relu(h @ W3 + b3)
    h = jax.nn.relu(h @ W4 + b4)
    out = jax.nn.relu(h @ W5 + b5)  # [B, 1]
    return out

if __name__ == "__main__":
    import jax
    _d = setup_inputs()
    print(jax.jit(kernel)(*tuple(_d.values())))

</pallas_src>

<mosaic_0001>
#map = affine_map<(d0, d1) -> (0)>
#map1 = affine_map<(d0, d1) -> (0, 0)>
module attributes {stable_mosaic.version = 14 : i64} {
  func.func @gather_kernel(%arg0: i32, %arg1: i32, %arg2: memref<16384xi32, #tpu.memory_space<hbm>>, %arg3: memref<16384xi32, #tpu.memory_space<hbm>>, %arg4: memref<500000x128xf32, #tpu.memory_space<hbm>>, %arg5: memref<50000x128xf32, #tpu.memory_space<hbm>>, %arg6: memref<16384x128xf32, #tpu.memory_space<hbm>>, %arg7: memref<16384x128xf32, #tpu.memory_space<hbm>>, %arg8: memref<4x128xi32, #tpu.memory_space<vmem>>, %arg9: memref<4x128xi32, #tpu.memory_space<vmem>>, %arg10: memref<512x128xf32, #tpu.memory_space<vmem>>, %arg11: memref<!tpu.dma_semaphore, #tpu.memory_space<semaphore_mem>>) attributes {dimension_semantics = [#tpu.dimension_semantics<core_parallel>, #tpu.dimension_semantics<subcore_parallel>], iteration_bounds = array<i64: 2, 16>, scalar_prefetch = 0 : i64, scratch_operands = 4 : i64, tpu.core_type = #tpu.core_type<sc_vector_subcore>, window_params = [{transform_indices = #map}, {transform_indices = #map}, {transform_indices = #map1}, {transform_indices = #map1}, {transform_indices = #map1}, {transform_indices = #map1}]} {
    %mul3A = arith.constant 2 : i32
    %mul3A_0 = arith.muli %arg1, %mul3A : i32
    %add3A = arith.addi %mul3A_0, %arg0 : i32
    %mul3A_1 = arith.constant 512 : i32
    %mul3A_2 = arith.muli %add3A, %mul3A_1 : i32
    %add3A_3 = arith.constant 0 : i32
    %add3A_4 = arith.addi %mul3A_2, %add3A_3 : i32
    %run_scoped3A = arith.constant 0 : i32
    "tpu.region"() ({
      %run_scoped3A_184 = tpu.sem_alloc : memref<!tpu.dma_semaphore, #tpu.memory_space<semaphore_mem>>
      %dma_start3A_185 = arith.constant 0 : i32
      %dma_start3A_186 = tpu.memref_slice %arg8[%run_scoped3A, %dma_start3A_185] : memref<4x128xi32, #tpu.memory_space<vmem>> -> memref<1x128xi32, #tpu.memory_space<vmem>>
      %dma_start3A_187 = tpu.memref_squeeze %dma_start3A_186 : memref<1x128xi32, #tpu.memory_space<vmem>> -> memref<128xi32, #tpu.memory_space<vmem>>
      %dma_start3A_188 = tpu.memref_slice %arg2[%add3A_4] : memref<16384xi32, #tpu.memory_space<hbm>> -> memref<128xi32, #tpu.memory_space<hbm>>
      %dma_start3A_189 = arith.constant 0 : i32
      %dma_start3A_190 = tpu.memref_slice %arg8[%run_scoped3A, %dma_start3A_189] : memref<4x128xi32, #tpu.memory_space<vmem>> -> memref<1x128xi32, #tpu.memory_space<vmem>>
      %dma_start3A_191 = tpu.memref_squeeze %dma_start3A_190 : memref<1x128xi32, #tpu.memory_space<vmem>> -> memref<128xi32, #tpu.memory_space<vmem>>
      %dma_start3A_192 = tpu.memref_slice %arg2[%add3A_4] : memref<16384xi32, #tpu.memory_space<hbm>> -> memref<128xi32, #tpu.memory_space<hbm>>
      tpu.enqueue_dma source(%dma_start3A_192 : memref<128xi32, #tpu.memory_space<hbm>>) target(%dma_start3A_191 : memref<128xi32, #tpu.memory_space<vmem>>) target_semaphore(%run_scoped3A_184 : memref<!tpu.dma_semaphore, #tpu.memory_space<semaphore_mem>>)
      %dma_wait3A_193 = arith.constant 0 : i32
      %dma_wait3A_194 = tpu.memref_slice %arg8[%run_scoped3A, %dma_wait3A_193] : memref<4x128xi32, #tpu.memory_space<vmem>> -> memref<1x128xi32, #tpu.memory_space<vmem>>
      %dma_wait3A_195 = tpu.memref_squeeze %dma_wait3A_194 : memref<1x128xi32, #tpu.memory_space<vmem>> -> memref<128xi32, #tpu.memory_space<vmem>>
      %dma_wait3A_196 = tpu.memref_slice %arg2[%add3A_4] : memref<16384xi32, #tpu.memory_space<hbm>> -> memref<128xi32, #tpu.memory_space<hbm>>
      %dma_wait3A_197 = arith.constant 0 : i32
      %dma_wait3A_198 = tpu.memref_slice %arg8[%run_scoped3A, %dma_wait3A_197] : memref<4x128xi32, #tpu.memory_space<vmem>> -> memref<1x128xi32, #tpu.memory_space<vmem>>
      %dma_wait3A_199 = tpu.memref_squeeze %dma_wait3A_198 : memref<1x128xi32, #tpu.memory_space<vmem>> -> memref<128xi32, #tpu.memory_space<vmem>>
      %dma_wait3A_200 = tpu.memref_slice %arg2[%add3A_4] : memref<16384xi32, #tpu.memory_space<hbm>> -> memref<128xi32, #tpu.memory_space<hbm>>
      tpu.wait_dma2 semaphore(%run_scoped3A_184 : memref<!tpu.dma_semaphore, #tpu.memory_space<semaphore_mem>>) src(%dma_wait3A_200 : memref<128xi32, #tpu.memory_space<hbm>>) dst(%dma_wait3A_199 : memref<128xi32, #tpu.memory_space<vmem>>)
      tpu.yield
    }) : () -> ()
    %add3A_5 = arith.constant 0 : i32
    %add3A_6 = arith.addi %mul3A_2, %add3A_5 : i32
    %run_scoped3A_7 = arith.constant 0 : i32
    "tpu.region"() ({
      %run_scoped3A_184 = tpu.sem_alloc : memref<!tpu.dma_semaphore, #tpu.memory_space<semaphore_mem>>
      %dma_start3A_185 = arith.constant 0 : i32
      %dma_start3A_186 = tpu.memref_slice %arg9[%run_scoped3A_7, %dma_start3A_185] : memref<4x128xi32, #tpu.memory_space<vmem>> -> memref<1x128xi32, #tpu.memory_space<vmem>>
      %dma_start3A_187 = tpu.memref_squeeze %dma_start3A_186 : memref<1x128xi32, #tpu.memory_space<vmem>> -> memref<128xi32, #tpu.memory_space<vmem>>
      %dma_start3A_188 = tpu.memref_slice %arg3[%add3A_6] : memref<16384xi32, #tpu.memory_space<hbm>> -> memref<128xi32, #tpu.memory_space<hbm>>
      %dma_start3A_189 = arith.constant 0 : i32
      %dma_start3A_190 = tpu.memref_slice %arg9[%run_scoped3A_7, %dma_start3A_189] : memref<4x128xi32, #tpu.memory_space<vmem>> -> memref<1x128xi32, #tpu.memory_space<vmem>>
      %dma_start3A_191 = tpu.memref_squeeze %dma_start3A_190 : memref<1x128xi32, #tpu.memory_space<vmem>> -> memref<128xi32, #tpu.memory_space<vmem>>
      %dma_start3A_192 = tpu.memref_slice %arg3[%add3A_6] : memref<16384xi32, #tpu.memory_space<hbm>> -> memref<128xi32, #tpu.memory_space<hbm>>
      tpu.enqueue_dma source(%dma_start3A_192 : memref<128xi32, #tpu.memory_space<hbm>>) target(%dma_start3A_191 : memref<128xi32, #tpu.memory_space<vmem>>) target_semaphore(%run_scoped3A_184 : memref<!tpu.dma_semaphore, #tpu.memory_space<semaphore_mem>>)
      %dma_wait3A_193 = arith.constant 0 : i32
      %dma_wait3A_194 = tpu.memref_slice %arg9[%run_scoped3A_7, %dma_wait3A_193] : memref<4x128xi32, #tpu.memory_space<vmem>> -> memref<1x128xi32, #tpu.memory_space<vmem>>
      %dma_wait3A_195 = tpu.memref_squeeze %dma_wait3A_194 : memref<1x128xi32, #tpu.memory_space<vmem>> -> memref<128xi32, #tpu.memory_space<vmem>>
      %dma_wait3A_196 = tpu.memref_slice %arg3[%add3A_6] : memref<16384xi32, #tpu.memory_space<hbm>> -> memref<128xi32, #tpu.memory_space<hbm>>
      %dma_wait3A_197 = arith.constant 0 : i32
      %dma_wait3A_198 = tpu.memref_slice %arg9[%run_scoped3A_7, %dma_wait3A_197] : memref<4x128xi32, #tpu.memory_space<vmem>> -> memref<1x128xi32, #tpu.memory_space<vmem>>
      %dma_wait3A_199 = tpu.memref_squeeze %dma_wait3A_198 : memref<1x128xi32, #tpu.memory_space<vmem>> -> memref<128xi32, #tpu.memory_space<vmem>>
      %dma_wait3A_200 = tpu.memref_slice %arg3[%add3A_6] : memref<16384xi32, #tpu.memory_space<hbm>> -> memref<128xi32, #tpu.memory_space<hbm>>
      tpu.wait_dma2 semaphore(%run_scoped3A_184 : memref<!tpu.dma_semaphore, #tpu.memory_space<semaphore_mem>>) src(%dma_wait3A_200 : memref<128xi32, #tpu.memory_space<hbm>>) dst(%dma_wait3A_199 : memref<128xi32, #tpu.memory_space<vmem>>)
      tpu.yield
    }) : () -> ()
    %add3A_8 = arith.constant 128 : i32
    %add3A_9 = arith.addi %mul3A_2, %add3A_8 : i32
    %run_scoped3A_10 = arith.constant 1 : i32
    "tpu.region"() ({
      %run_scoped3A_184 = tpu.sem_alloc : memref<!tpu.dma_semaphore, #tpu.memory_space<semaphore_mem>>
      %dma_start3A_185 = arith.constant 0 : i32
      %dma_start3A_186 = tpu.memref_slice %arg8[%run_scoped3A_10, %dma_start3A_185] : memref<4x128xi32, #tpu.memory_space<vmem>> -> memref<1x128xi32, #tpu.memory_space<vmem>>
      %dma_start3A_187 = tpu.memref_squeeze %dma_start3A_186 : memref<1x128xi32, #tpu.memory_space<vmem>> -> memref<128xi32, #tpu.memory_space<vmem>>
      %dma_start3A_188 = tpu.memref_slice %arg2[%add3A_9] : memref<16384xi32, #tpu.memory_space<hbm>> -> memref<128xi32, #tpu.memory_space<hbm>>
      %dma_start3A_189 = arith.constant 0 : i32
      %dma_start3A_190 = tpu.memref_slice %arg8[%run_scoped3A_10, %dma_start3A_189] : memref<4x128xi32, #tpu.memory_space<vmem>> -> memref<1x128xi32, #tpu.memory_space<vmem>>
      %dma_start3A_191 = tpu.memref_squeeze %dma_start3A_190 : memref<1x128xi32, #tpu.memory_space<vmem>> -> memref<128xi32, #tpu.memory_space<vmem>>
      %dma_start3A_192 = tpu.memref_slice %arg2[%add3A_9] : memref<16384xi32, #tpu.memory_space<hbm>> -> memref<128xi32, #tpu.memory_space<hbm>>
      tpu.enqueue_dma source(%dma_start3A_192 : memref<128xi32, #tpu.memory_space<hbm>>) target(%dma_start3A_191 : memref<128xi32, #tpu.memory_space<vmem>>) target_semaphore(%run_scoped3A_184 : memref<!tpu.dma_semaphore, #tpu.memory_space<semaphore_mem>>)
      %dma_wait3A_193 = arith.constant 0 : i32
      %dma_wait3A_194 = tpu.memref_slice %arg8[%run_scoped3A_10, %dma_wait3A_193] : memref<4x128xi32, #tpu.memory_space<vmem>> -> memref<1x128xi32, #tpu.memory_space<vmem>>
      %dma_wait3A_195 = tpu.memref_squeeze %dma_wait3A_194 : memref<1x128xi32, #tpu.memory_space<vmem>> -> memref<128xi32, #tpu.memory_space<vmem>>
      %dma_wait3A_196 = tpu.memref_slice %arg2[%add3A_9] : memref<16384xi32, #tpu.memory_space<hbm>> -> memref<128xi32, #tpu.memory_space<hbm>>
      %dma_wait3A_197 = arith.constant 0 : i32
      %dma_wait3A_198 = tpu.memref_slice %arg8[%run_scoped3A_10, %dma_wait3A_197] : memref<4x128xi32, #tpu.memory_space<vmem>> -> memref<1x128xi32, #tpu.memory_space<vmem>>
      %dma_wait3A_199 = tpu.memref_squeeze %dma_wait3A_198 : memref<1x128xi32, #tpu.memory_space<vmem>> -> memref<128xi32, #tpu.memory_space<vmem>>
      %dma_wait3A_200 = tpu.memref_slice %arg2[%add3A_9] : memref<16384xi32, #tpu.memory_space<hbm>> -> memref<128xi32, #tpu.memory_space<hbm>>
      tpu.wait_dma2 semaphore(%run_scoped3A_184 : memref<!tpu.dma_semaphore, #tpu.memory_space<semaphore_mem>>) src(%dma_wait3A_200 : memref<128xi32, #tpu.memory_space<hbm>>) dst(%dma_wait3A_199 : memref<128xi32, #tpu.memory_space<vmem>>)
      tpu.yield
    }) : () -> ()
    %add3A_11 = arith.constant 128 : i32
    %add3A_12 = arith.addi %mul3A_2, %add3A_11 : i32
    %run_scoped3A_13 = arith.constant 1 : i32
    "tpu.region"() ({
      %run_scoped3A_184 = tpu.sem_alloc : memref<!tpu.dma_semaphore, #tpu.memory_space<semaphore_mem>>
      %dma_start3A_185 = arith.constant 0 : i32
      %dma_start3A_186 = tpu.memref_slice %arg9[%run_scoped3A_13, %dma_start3A_185] : memref<4x128xi32, #tpu.memory_space<vmem>> -> memref<1x128xi32, #tpu.memory_space<vmem>>
      %dma_start3A_187 = tpu.memref_squeeze %dma_start3A_186 : memref<1x128xi32, #tpu.memory_space<vmem>> -> memref<128xi32, #tpu.memory_space<vmem>>
      %dma_start3A_188 = tpu.memref_slice %arg3[%add3A_12] : memref<16384xi32, #tpu.memory_space<hbm>> -> memref<128xi32, #tpu.memory_space<hbm>>
      %dma_start3A_189 = arith.constant 0 : i32
      %dma_start3A_190 = tpu.memref_slice %arg9[%run_scoped3A_13, %dma_start3A_189] : memref<4x128xi32, #tpu.memory_space<vmem>> -> memref<1x128xi32, #tpu.memory_space<vmem>>
      %dma_start3A_191 = tpu.memref_squeeze %dma_start3A_190 : memref<1x128xi32, #tpu.memory_space<vmem>> -> memref<128xi32, #tpu.memory_space<vmem>>
      %dma_start3A_192 = tpu.memref_slice %arg3[%add3A_12] : memref<16384xi32, #tpu.memory_space<hbm>> -> memref<128xi32, #tpu.memory_space<hbm>>
      tpu.enqueue_dma source(%dma_start3A_192 : memref<128xi32, #tpu.memory_space<hbm>>) target(%dma_start3A_191 : memref<128xi32, #tpu.memory_space<vmem>>) target_semaphore(%run_scoped3A_184 : memref<!tpu.dma_semaphore, #tpu.memory_space<semaphore_mem>>)
      %dma_wait3A_193 = arith.constant 0 : i32
      %dma_wait3A_194 = tpu.memref_slice %arg9[%run_scoped3A_13, %dma_wait3A_193] : memref<4x128xi32, #tpu.memory_space<vmem>> -> memref<1x128xi32, #tpu.memory_space<vmem>>
      %dma_wait3A_195 = tpu.memref_squeeze %dma_wait3A_194 : memref<1x128xi32, #tpu.memory_space<vmem>> -> memref<128xi32, #tpu.memory_space<vmem>>
      %dma_wait3A_196 = tpu.memref_slice %arg3[%add3A_12] : memref<16384xi32, #tpu.memory_space<hbm>> -> memref<128xi32, #tpu.memory_space<hbm>>
      %dma_wait3A_197 = arith.constant 0 : i32
      %dma_wait3A_198 = tpu.memref_slice %arg9[%run_scoped3A_13, %dma_wait3A_197] : memref<4x128xi32, #tpu.memory_space<vmem>> -> memref<1x128xi32, #tpu.memory_space<vmem>>
      %dma_wait3A_199 = tpu.memref_squeeze %dma_wait3A_198 : memref<1x128xi32, #tpu.memory_space<vmem>> -> memref<128xi32, #tpu.memory_space<vmem>>
      %dma_wait3A_200 = tpu.memref_slice %arg3[%add3A_12] : memref<16384xi32, #tpu.memory_space<hbm>> -> memref<128xi32, #tpu.memory_space<hbm>>
      tpu.wait_dma2 semaphore(%run_scoped3A_184 : memref<!tpu.dma_semaphore, #tpu.memory_space<semaphore_mem>>) src(%dma_wait3A_200 : memref<128xi32, #tpu.memory_space<hbm>>) dst(%dma_wait3A_199 : memref<128xi32, #tpu.memory_space<vmem>>)
      tpu.yield
    }) : () -> ()
    %add3A_14 = arith.constant 256 : i32
    %add3A_15 = arith.addi %mul3A_2, %add3A_14 : i32
    %run_scoped3A_16 = arith.constant 2 : i32
    "tpu.region"() ({
      %run_scoped3A_184 = tpu.sem_alloc : memref<!tpu.dma_semaphore, #tpu.memory_space<semaphore_mem>>
      %dma_start3A_185 = arith.constant 0 : i32
      %dma_start3A_186 = tpu.memref_slice %arg8[%run_scoped3A_16, %dma_start3A_185] : memref<4x128xi32, #tpu.memory_space<vmem>> -> memref<1x128xi32, #tpu.memory_space<vmem>>
      %dma_start3A_187 = tpu.memref_squeeze %dma_start3A_186 : memref<1x128xi32, #tpu.memory_space<vmem>> -> memref<128xi32, #tpu.memory_space<vmem>>
      %dma_start3A_188 = tpu.memref_slice %arg2[%add3A_15] : memref<16384xi32, #tpu.memory_space<hbm>> -> memref<128xi32, #tpu.memory_space<hbm>>
      %dma_start3A_189 = arith.constant 0 : i32
      %dma_start3A_190 = tpu.memref_slice %arg8[%run_scoped3A_16, %dma_start3A_189] : memref<4x128xi32, #tpu.memory_space<vmem>> -> memref<1x128xi32, #tpu.memory_space<vmem>>
      %dma_start3A_191 = tpu.memref_squeeze %dma_start3A_190 : memref<1x128xi32, #tpu.memory_space<vmem>> -> memref<128xi32, #tpu.memory_space<vmem>>
      %dma_start3A_192 = tpu.memref_slice %arg2[%add3A_15] : memref<16384xi32, #tpu.memory_space<hbm>> -> memref<128xi32, #tpu.memory_space<hbm>>
      tpu.enqueue_dma source(%dma_start3A_192 : memref<128xi32, #tpu.memory_space<hbm>>) target(%dma_start3A_191 : memref<128xi32, #tpu.memory_space<vmem>>) target_semaphore(%run_scoped3A_184 : memref<!tpu.dma_semaphore, #tpu.memory_space<semaphore_mem>>)
      %dma_wait3A_193 = arith.constant 0 : i32
      %dma_wait3A_194 = tpu.memref_slice %arg8[%run_scoped3A_16, %dma_wait3A_193] : memref<4x128xi32, #tpu.memory_space<vmem>> -> memref<1x128xi32, #tpu.memory_space<vmem>>
      %dma_wait3A_195 = tpu.memref_squeeze %dma_wait3A_194 : memref<1x128xi32, #tpu.memory_space<vmem>> -> memref<128xi32, #tpu.memory_space<vmem>>
      %dma_wait3A_196 = tpu.memref_slice %arg2[%add3A_15] : memref<16384xi32, #tpu.memory_space<hbm>> -> memref<128xi32, #tpu.memory_space<hbm>>
      %dma_wait3A_197 = arith.constant 0 : i32
      %dma_wait3A_198 = tpu.memref_slice %arg8[%run_scoped3A_16, %dma_wait3A_197] : memref<4x128xi32, #tpu.memory_space<vmem>> -> memref<1x128xi32, #tpu.memory_space<vmem>>
      %dma_wait3A_199 = tpu.memref_squeeze %dma_wait3A_198 : memref<1x128xi32, #tpu.memory_space<vmem>> -> memref<128xi32, #tpu.memory_space<vmem>>
      %dma_wait3A_200 = tpu.memref_slice %arg2[%add3A_15] : memref<16384xi32, #tpu.memory_space<hbm>> -> memref<128xi32, #tpu.memory_space<hbm>>
      tpu.wait_dma2 semaphore(%run_scoped3A_184 : memref<!tpu.dma_semaphore, #tpu.memory_space<semaphore_mem>>) src(%dma_wait3A_200 : memref<128xi32, #tpu.memory_space<hbm>>) dst(%dma_wait3A_199 : memref<128xi32, #tpu.memory_space<vmem>>)
      tpu.yield
    }) : () -> ()
    %add3A_17 = arith.constant 256 : i32
    %add3A_18 = arith.addi %mul3A_2, %add3A_17 : i32
    %run_scoped3A_19 = arith.constant 2 : i32
    "tpu.region"() ({
      %run_scoped3A_184 = tpu.sem_alloc : memref<!tpu.dma_semaphore, #tpu.memory_space<semaphore_mem>>
      %dma_start3A_185 = arith.constant 0 : i32
      %dma_start3A_186 = tpu.memref_slice %arg9[%run_scoped3A_19, %dma_start3A_185] : memref<4x128xi32, #tpu.memory_space<vmem>> -> memref<1x128xi32, #tpu.memory_space<vmem>>
      %dma_start3A_187 = tpu.memref_squeeze %dma_start3A_186 : memref<1x128xi32, #tpu.memory_space<vmem>> -> memref<128xi32, #tpu.memory_space<vmem>>
      %dma_start3A_188 = tpu.memref_slice %arg3[%add3A_18] : memref<16384xi32, #tpu.memory_space<hbm>> -> memref<128xi32, #tpu.memory_space<hbm>>
      %dma_start3A_189 = arith.constant 0 : i32
      %dma_start3A_190 = tpu.memref_slice %arg9[%run_scoped3A_19, %dma_start3A_189] : memref<4x128xi32, #tpu.memory_space<vmem>> -> memref<1x128xi32, #tpu.memory_space<vmem>>
      %dma_start3A_191 = tpu.memref_squeeze %dma_start3A_190 : memref<1x128xi32, #tpu.memory_space<vmem>> -> memref<128xi32, #tpu.memory_space<vmem>>
      %dma_start3A_192 = tpu.memref_slice %arg3[%add3A_18] : memref<16384xi32, #tpu.memory_space<hbm>> -> memref<128xi32, #tpu.memory_space<hbm>>
      tpu.enqueue_dma source(%dma_start3A_192 : memref<128xi32, #tpu.memory_space<hbm>>) target(%dma_start3A_191 : memref<128xi32, #tpu.memory_space<vmem>>) target_semaphore(%run_scoped3A_184 : memref<!tpu.dma_semaphore, #tpu.memory_space<semaphore_mem>>)
      %dma_wait3A_193 = arith.constant 0 : i32
      %dma_wait3A_194 = tpu.memref_slice %arg9[%run_scoped3A_19, %dma_wait3A_193] : memref<4x128xi32, #tpu.memory_space<vmem>> -> memref<1x128xi32, #tpu.memory_space<vmem>>
      %dma_wait3A_195 = tpu.memref_squeeze %dma_wait3A_194 : memref<1x128xi32, #tpu.memory_space<vmem>> -> memref<128xi32, #tpu.memory_space<vmem>>
      %dma_wait3A_196 = tpu.memref_slice %arg3[%add3A_18] : memref<16384xi32, #tpu.memory_space<hbm>> -> memref<128xi32, #tpu.memory_space<hbm>>
      %dma_wait3A_197 = arith.constant 0 : i32
      %dma_wait3A_198 = tpu.memref_slice %arg9[%run_scoped3A_19, %dma_wait3A_197] : memref<4x128xi32, #tpu.memory_space<vmem>> -> memref<1x128xi32, #tpu.memory_space<vmem>>
      %dma_wait3A_199 = tpu.memref_squeeze %dma_wait3A_198 : memref<1x128xi32, #tpu.memory_space<vmem>> -> memref<128xi32, #tpu.memory_space<vmem>>
      %dma_wait3A_200 = tpu.memref_slice %arg3[%add3A_18] : memref<16384xi32, #tpu.memory_space<hbm>> -> memref<128xi32, #tpu.memory_space<hbm>>
      tpu.wait_dma2 semaphore(%run_scoped3A_184 : memref<!tpu.dma_semaphore, #tpu.memory_space<semaphore_mem>>) src(%dma_wait3A_200 : memref<128xi32, #tpu.memory_space<hbm>>) dst(%dma_wait3A_199 : memref<128xi32, #tpu.memory_space<vmem>>)
      tpu.yield
    }) : () -> ()
    %add3A_20 = arith.constant 384 : i32
    %add3A_21 = arith.addi %mul3A_2, %add3A_20 : i32
    %run_scoped3A_22 = arith.constant 3 : i32
    "tpu.region"() ({
      %run_scoped3A_184 = tpu.sem_alloc : memref<!tpu.dma_semaphore, #tpu.memory_space<semaphore_mem>>
      %dma_start3A_185 = arith.constant 0 : i32
      %dma_start3A_186 = tpu.memref_slice %arg8[%run_scoped3A_22, %dma_start3A_185] : memref<4x128xi32, #tpu.memory_space<vmem>> -> memref<1x128xi32, #tpu.memory_space<vmem>>
      %dma_start3A_187 = tpu.memref_squeeze %dma_start3A_186 : memref<1x128xi32, #tpu.memory_space<vmem>> -> memref<128xi32, #tpu.memory_space<vmem>>
      %dma_start3A_188 = tpu.memref_slice %arg2[%add3A_21] : memref<16384xi32, #tpu.memory_space<hbm>> -> memref<128xi32, #tpu.memory_space<hbm>>
      %dma_start3A_189 = arith.constant 0 : i32
      %dma_start3A_190 = tpu.memref_slice %arg8[%run_scoped3A_22, %dma_start3A_189] : memref<4x128xi32, #tpu.memory_space<vmem>> -> memref<1x128xi32, #tpu.memory_space<vmem>>
      %dma_start3A_191 = tpu.memref_squeeze %dma_start3A_190 : memref<1x128xi32, #tpu.memory_space<vmem>> -> memref<128xi32, #tpu.memory_space<vmem>>
      %dma_start3A_192 = tpu.memref_slice %arg2[%add3A_21] : memref<16384xi32, #tpu.memory_space<hbm>> -> memref<128xi32, #tpu.memory_space<hbm>>
      tpu.enqueue_dma source(%dma_start3A_192 : memref<128xi32, #tpu.memory_space<hbm>>) target(%dma_start3A_191 : memref<128xi32, #tpu.memory_space<vmem>>) target_semaphore(%run_scoped3A_184 : memref<!tpu.dma_semaphore, #tpu.memory_space<semaphore_mem>>)
      %dma_wait3A_193 = arith.constant 0 : i32
      %dma_wait3A_194 = tpu.memref_slice %arg8[%run_scoped3A_22, %dma_wait3A_193] : memref<4x128xi32, #tpu.memory_space<vmem>> -> memref<1x128xi32, #tpu.memory_space<vmem>>
      %dma_wait3A_195 = tpu.memref_squeeze %dma_wait3A_194 : memref<1x128xi32, #tpu.memory_space<vmem>> -> memref<128xi32, #tpu.memory_space<vmem>>
      %dma_wait3A_196 = tpu.memref_slice %arg2[%add3A_21] : memref<16384xi32, #tpu.memory_space<hbm>> -> memref<128xi32, #tpu.memory_space<hbm>>
      %dma_wait3A_197 = arith.constant 0 : i32
      %dma_wait3A_198 = tpu.memref_slice %arg8[%run_scoped3A_22, %dma_wait3A_197] : memref<4x128xi32, #tpu.memory_space<vmem>> -> memref<1x128xi32, #tpu.memory_space<vmem>>
      %dma_wait3A_199 = tpu.memref_squeeze %dma_wait3A_198 : memref<1x128xi32, #tpu.memory_space<vmem>> -> memref<128xi32, #tpu.memory_space<vmem>>
      %dma_wait3A_200 = tpu.memref_slice %arg2[%add3A_21] : memref<16384xi32, #tpu.memory_space<hbm>> -> memref<128xi32, #tpu.memory_space<hbm>>
      tpu.wait_dma2 semaphore(%run_scoped3A_184 : memref<!tpu.dma_semaphore, #tpu.memory_space<semaphore_mem>>) src(%dma_wait3A_200 : memref<128xi32, #tpu.memory_space<hbm>>) dst(%dma_wait3A_199 : memref<128xi32, #tpu.memory_space<vmem>>)
      tpu.yield
    }) : () -> ()
    %add3A_23 = arith.constant 384 : i32
    %add3A_24 = arith.addi %mul3A_2, %add3A_23 : i32
    %run_scoped3A_25 = arith.constant 3 : i32
    "tpu.region"() ({
      %run_scoped3A_184 = tpu.sem_alloc : memref<!tpu.dma_semaphore, #tpu.memory_space<semaphore_mem>>
      %dma_start3A_185 = arith.constant 0 : i32
      %dma_start3A_186 = tpu.memref_slice %arg9[%run_scoped3A_25, %dma_start3A_185] : memref<4x128xi32, #tpu.memory_space<vmem>> -> memref<1x128xi32, #tpu.memory_space<vmem>>
      %dma_start3A_187 = tpu.memref_squeeze %dma_start3A_186 : memref<1x128xi32, #tpu.memory_space<vmem>> -> memref<128xi32, #tpu.memory_space<vmem>>
      %dma_start3A_188 = tpu.memref_slice %arg3[%add3A_24] : memref<16384xi32, #tpu.memory_space<hbm>> -> memref<128xi32, #tpu.memory_space<hbm>>
      %dma_start3A_189 = arith.constant 0 : i32
      %dma_start3A_190 = tpu.memref_slice %arg9[%run_scoped3A_25, %dma_start3A_189] : memref<4x128xi32, #tpu.memory_space<vmem>> -> memref<1x128xi32, #tpu.memory_space<vmem>>
      %dma_start3A_191 = tpu.memref_squeeze %dma_start3A_190 : memref<1x128xi32, #tpu.memory_space<vmem>> -> memref<128xi32, #tpu.memory_space<vmem>>
      %dma_start3A_192 = tpu.memref_slice %arg3[%add3A_24] : memref<16384xi32, #tpu.memory_space<hbm>> -> memref<128xi32, #tpu.memory_space<hbm>>
      tpu.enqueue_dma source(%dma_start3A_192 : memref<128xi32, #tpu.memory_space<hbm>>) target(%dma_start3A_191 : memref<128xi32, #tpu.memory_space<vmem>>) target_semaphore(%run_scoped3A_184 : memref<!tpu.dma_semaphore, #tpu.memory_space<semaphore_mem>>)
      %dma_wait3A_193 = arith.constant 0 : i32
      %dma_wait3A_194 = tpu.memref_slice %arg9[%run_scoped3A_25, %dma_wait3A_193] : memref<4x128xi32, #tpu.memory_space<vmem>> -> memref<1x128xi32, #tpu.memory_space<vmem>>
      %dma_wait3A_195 = tpu.memref_squeeze %dma_wait3A_194 : memref<1x128xi32, #tpu.memory_space<vmem>> -> memref<128xi32, #tpu.memory_space<vmem>>
      %dma_wait3A_196 = tpu.memref_slice %arg3[%add3A_24] : memref<16384xi32, #tpu.memory_space<hbm>> -> memref<128xi32, #tpu.memory_space<hbm>>
      %dma_wait3A_197 = arith.constant 0 : i32
      %dma_wait3A_198 = tpu.memref_slice %arg9[%run_scoped3A_25, %dma_wait3A_197] : memref<4x128xi32, #tpu.memory_space<vmem>> -> memref<1x128xi32, #tpu.memory_space<vmem>>
      %dma_wait3A_199 = tpu.memref_squeeze %dma_wait3A_198 : memref<1x128xi32, #tpu.memory_space<vmem>> -> memref<128xi32, #tpu.memory_space<vmem>>
      %dma_wait3A_200 = tpu.memref_slice %arg3[%add3A_24] : memref<16384xi32, #tpu.memory_space<hbm>> -> memref<128xi32, #tpu.memory_space<hbm>>
      tpu.wait_dma2 semaphore(%run_scoped3A_184 : memref<!tpu.dma_semaphore, #tpu.memory_space<semaphore_mem>>) src(%dma_wait3A_200 : memref<128xi32, #tpu.memory_space<hbm>>) dst(%dma_wait3A_199 : memref<128xi32, #tpu.memory_space<vmem>>)
      tpu.yield
    }) : () -> ()
    %dma_start3A = arith.constant 0 : i32
    %dma_start3A_26 = arith.constant 0 : i32
    %dma_start3A_27 = arith.constant 0 : i32
    %dma_start3A_28 = tpu.memref_slice %arg10[%dma_start3A_26, %dma_start3A_27] : memref<512x128xf32, #tpu.memory_space<vmem>> -> memref<128x128xf32, #tpu.memory_space<vmem>>
    %dma_start3A_29 = arith.constant 0 : i32
    %dma_start3A_30 = tpu.memref_slice %arg8[%dma_start3A, %dma_start3A_29] : memref<4x128xi32, #tpu.memory_space<vmem>> -> memref<1x128xi32, #tpu.memory_space<vmem>>
    %dma_start3A_31 = tpu.memref_squeeze %dma_start3A_30 : memref<1x128xi32, #tpu.memory_space<vmem>> -> memref<128xi32, #tpu.memory_space<vmem>>
    %dma_start3A_32 = arith.constant 0 : i32
    %dma_start3A_33 = arith.constant 0 : i32
    %dma_start3A_34 = tpu.memref_slice %arg4[%dma_start3A_32, %dma_start3A_33] : memref<500000x128xf32, #tpu.memory_space<hbm>> -> memref<500000x128xf32, #tpu.memory_space<hbm>>
    tpu.enqueue_indirect_dma source(%dma_start3A_34 : memref<500000x128xf32, #tpu.memory_space<hbm>>) target(%dma_start3A_28 : memref<128x128xf32, #tpu.memory_space<vmem>>) offsets(%dma_start3A_31 : memref<128xi32, #tpu.memory_space<vmem>>) semaphore(%arg11 : memref<!tpu.dma_semaphore, #tpu.memory_space<semaphore_mem>>)
    %dma_start3A_35 = arith.constant 1 : i32
    %dma_start3A_36 = arith.constant 128 : i32
    %dma_start3A_37 = arith.constant 0 : i32
    %dma_start3A_38 = tpu.memref_slice %arg10[%dma_start3A_36, %dma_start3A_37] : memref<512x128xf32, #tpu.memory_space<vmem>> -> memref<128x128xf32, #tpu.memory_space<vmem>>
    %dma_start3A_39 = arith.constant 0 : i32
    %dma_start3A_40 = tpu.memref_slice %arg8[%dma_start3A_35, %dma_start3A_39] : memref<4x128xi32, #tpu.memory_space<vmem>> -> memref<1x128xi32, #tpu.memory_space<vmem>>
    %dma_start3A_41 = tpu.memref_squeeze %dma_start3A_40 : memref<1x128xi32, #tpu.memory_space<vmem>> -> memref<128xi32, #tpu.memory_space<vmem>>
    %dma_start3A_42 = arith.constant 0 : i32
    %dma_start3A_43 = arith.constant 0 : i32
    %dma_start3A_44 = tpu.memref_slice %arg4[%dma_start3A_42, %dma_start3A_43] : memref<500000x128xf32, #tpu.memory_space<hbm>> -> memref<500000x128xf32, #tpu.memory_space<hbm>>
    tpu.enqueue_indirect_dma source(%dma_start3A_44 : memref<500000x128xf32, #tpu.memory_space<hbm>>) target(%dma_start3A_38 : memref<128x128xf32, #tpu.memory_space<vmem>>) offsets(%dma_start3A_41 : memref<128xi32, #tpu.memory_space<vmem>>) semaphore(%arg11 : memref<!tpu.dma_semaphore, #tpu.memory_space<semaphore_mem>>)
    %dma_start3A_45 = arith.constant 2 : i32
    %dma_start3A_46 = arith.constant 256 : i32
    %dma_start3A_47 = arith.constant 0 : i32
    %dma_start3A_48 = tpu.memref_slice %arg10[%dma_start3A_46, %dma_start3A_47] : memref<512x128xf32, #tpu.memory_space<vmem>> -> memref<128x128xf32, #tpu.memory_space<vmem>>
    %dma_start3A_49 = arith.constant 0 : i32
    %dma_start3A_50 = tpu.memref_slice %arg8[%dma_start3A_45, %dma_start3A_49] : memref<4x128xi32, #tpu.memory_space<vmem>> -> memref<1x128xi32, #tpu.memory_space<vmem>>
    %dma_start3A_51 = tpu.memref_squeeze %dma_start3A_50 : memref<1x128xi32, #tpu.memory_space<vmem>> -> memref<128xi32, #tpu.memory_space<vmem>>
    %dma_start3A_52 = arith.constant 0 : i32
    %dma_start3A_53 = arith.constant 0 : i32
    %dma_start3A_54 = tpu.memref_slice %arg4[%dma_start3A_52, %dma_start3A_53] : memref<500000x128xf32, #tpu.memory_space<hbm>> -> memref<500000x128xf32, #tpu.memory_space<hbm>>
    tpu.enqueue_indirect_dma source(%dma_start3A_54 : memref<500000x128xf32, #tpu.memory_space<hbm>>) target(%dma_start3A_48 : memref<128x128xf32, #tpu.memory_space<vmem>>) offsets(%dma_start3A_51 : memref<128xi32, #tpu.memory_space<vmem>>) semaphore(%arg11 : memref<!tpu.dma_semaphore, #tpu.memory_space<semaphore_mem>>)
    %dma_start3A_55 = arith.constant 3 : i32
    %dma_start3A_56 = arith.constant 384 : i32
    %dma_start3A_57 = arith.constant 0 : i32
    %dma_start3A_58 = tpu.memref_slice %arg10[%dma_start3A_56, %dma_start3A_57] : memref<512x128xf32, #tpu.memory_space<vmem>> -> memref<128x128xf32, #tpu.memory_space<vmem>>
    %dma_start3A_59 = arith.constant 0 : i32
    %dma_start3A_60 = tpu.memref_slice %arg8[%dma_start3A_55, %dma_start3A_59] : memref<4x128xi32, #tpu.memory_space<vmem>> -> memref<1x128xi32, #tpu.memory_space<vmem>>
    %dma_start3A_61 = tpu.memref_squeeze %dma_start3A_60 : memref<1x128xi32, #tpu.memory_space<vmem>> -> memref<128xi32, #tpu.memory_space<vmem>>
    %dma_start3A_62 = arith.constant 0 : i32
    %dma_start3A_63 = arith.constant 0 : i32
    %dma_start3A_64 = tpu.memref_slice %arg4[%dma_start3A_62, %dma_start3A_63] : memref<500000x128xf32, #tpu.memory_space<hbm>> -> memref<500000x128xf32, #tpu.memory_space<hbm>>
    tpu.enqueue_indirect_dma source(%dma_start3A_64 : memref<500000x128xf32, #tpu.memory_space<hbm>>) target(%dma_start3A_58 : memref<128x128xf32, #tpu.memory_space<vmem>>) offsets(%dma_start3A_61 : memref<128xi32, #tpu.memory_space<vmem>>) semaphore(%arg11 : memref<!tpu.dma_semaphore, #tpu.memory_space<semaphore_mem>>)
    %dma_wait3A = arith.constant 0 : i32
    %dma_wait3A_65 = arith.constant 0 : i32
    %dma_wait3A_66 = arith.constant 0 : i32
    %dma_wait3A_67 = tpu.memref_slice %arg10[%dma_wait3A_65, %dma_wait3A_66] : memref<512x128xf32, #tpu.memory_space<vmem>> -> memref<128x128xf32, #tpu.memory_space<vmem>>
    %dma_wait3A_68 = arith.constant 0 : i32
    %dma_wait3A_69 = tpu.memref_slice %arg8[%dma_wait3A, %dma_wait3A_68] : memref<4x128xi32, #tpu.memory_space<vmem>> -> memref<1x128xi32, #tpu.memory_space<vmem>>
    %dma_wait3A_70 = tpu.memref_squeeze %dma_wait3A_69 : memref<1x128xi32, #tpu.memory_space<vmem>> -> memref<128xi32, #tpu.memory_space<vmem>>
    %dma_wait3A_71 = arith.constant 0 : i32
    %dma_wait3A_72 = arith.constant 0 : i32
    %dma_wait3A_73 = tpu.memref_slice %arg4[%dma_wait3A_71, %dma_wait3A_72] : memref<500000x128xf32, #tpu.memory_space<hbm>> -> memref<500000x128xf32, #tpu.memory_space<hbm>>
    tpu.wait_indirect_dma semaphore(%arg11 : memref<!tpu.dma_semaphore, #tpu.memory_space<semaphore_mem>>) src(%dma_wait3A_73 : memref<500000x128xf32, #tpu.memory_space<hbm>>) dst(%dma_wait3A_67 : memref<128x128xf32, #tpu.memory_space<vmem>>)
    %dma_wait3A_74 = arith.constant 1 : i32
    %dma_wait3A_75 = arith.constant 128 : i32
    %dma_wait3A_76 = arith.constant 0 : i32
    %dma_wait3A_77 = tpu.memref_slice %arg10[%dma_wait3A_75, %dma_wait3A_76] : memref<512x128xf32, #tpu.memory_space<vmem>> -> memref<128x128xf32, #tpu.memory_space<vmem>>
    %dma_wait3A_78 = arith.constant 0 : i32
    %dma_wait3A_79 = tpu.memref_slice %arg8[%dma_wait3A_74, %dma_wait3A_78] : memref<4x128xi32, #tpu.memory_space<vmem>> -> memref<1x128xi32, #tpu.memory_space<vmem>>
    %dma_wait3A_80 = tpu.memref_squeeze %dma_wait3A_79 : memref<1x128xi32, #tpu.memory_space<vmem>> -> memref<128xi32, #tpu.memory_space<vmem>>
    %dma_wait3A_81 = arith.constant 0 : i32
    %dma_wait3A_82 = arith.constant 0 : i32
    %dma_wait3A_83 = tpu.memref_slice %arg4[%dma_wait3A_81, %dma_wait3A_82] : memref<500000x128xf32, #tpu.memory_space<hbm>> -> memref<500000x128xf32, #tpu.memory_space<hbm>>
    tpu.wait_indirect_dma semaphore(%arg11 : memref<!tpu.dma_semaphore, #tpu.memory_space<semaphore_mem>>) src(%dma_wait3A_83 : memref<500000x128xf32, #tpu.memory_space<hbm>>) dst(%dma_wait3A_77 : memref<128x128xf32, #tpu.memory_space<vmem>>)
    %dma_wait3A_84 = arith.constant 2 : i32
    %dma_wait3A_85 = arith.constant 256 : i32
    %dma_wait3A_86 = arith.constant 0 : i32
    %dma_wait3A_87 = tpu.memref_slice %arg10[%dma_wait3A_85, %dma_wait3A_86] : memref<512x128xf32, #tpu.memory_space<vmem>> -> memref<128x128xf32, #tpu.memory_space<vmem>>
    %dma_wait3A_88 = arith.constant 0 : i32
    %dma_wait3A_89 = tpu.memref_slice %arg8[%dma_wait3A_84, %dma_wait3A_88] : memref<4x128xi32, #tpu.memory_space<vmem>> -> memref<1x128xi32, #tpu.memory_space<vmem>>
    %dma_wait3A_90 = tpu.memref_squeeze %dma_wait3A_89 : memref<1x128xi32, #tpu.memory_space<vmem>> -> memref<128xi32, #tpu.memory_space<vmem>>
    %dma_wait3A_91 = arith.constant 0 : i32
    %dma_wait3A_92 = arith.constant 0 : i32
    %dma_wait3A_93 = tpu.memref_slice %arg4[%dma_wait3A_91, %dma_wait3A_92] : memref<500000x128xf32, #tpu.memory_space<hbm>> -> memref<500000x128xf32, #tpu.memory_space<hbm>>
    tpu.wait_indirect_dma semaphore(%arg11 : memref<!tpu.dma_semaphore, #tpu.memory_space<semaphore_mem>>) src(%dma_wait3A_93 : memref<500000x128xf32, #tpu.memory_space<hbm>>) dst(%dma_wait3A_87 : memref<128x128xf32, #tpu.memory_space<vmem>>)
    %dma_wait3A_94 = arith.constant 3 : i32
    %dma_wait3A_95 = arith.constant 384 : i32
    %dma_wait3A_96 = arith.constant 0 : i32
    %dma_wait3A_97 = tpu.memref_slice %arg10[%dma_wait3A_95, %dma_wait3A_96] : memref<512x128xf32, #tpu.memory_space<vmem>> -> memref<128x128xf32, #tpu.memory_space<vmem>>
    %dma_wait3A_98 = arith.constant 0 : i32
    %dma_wait3A_99 = tpu.memref_slice %arg8[%dma_wait3A_94, %dma_wait3A_98] : memref<4x128xi32, #tpu.memory_space<vmem>> -> memref<1x128xi32, #tpu.memory_space<vmem>>
    %dma_wait3A_100 = tpu.memref_squeeze %dma_wait3A_99 : memref<1x128xi32, #tpu.memory_space<vmem>> -> memref<128xi32, #tpu.memory_space<vmem>>
    %dma_wait3A_101 = arith.constant 0 : i32
    %dma_wait3A_102 = arith.constant 0 : i32
    %dma_wait3A_103 = tpu.memref_slice %arg4[%dma_wait3A_101, %dma_wait3A_102] : memref<500000x128xf32, #tpu.memory_space<hbm>> -> memref<500000x128xf32, #tpu.memory_space<hbm>>
    tpu.wait_indirect_dma semaphore(%arg11 : memref<!tpu.dma_semaphore, #tpu.memory_space<semaphore_mem>>) src(%dma_wait3A_103 : memref<500000x128xf32, #tpu.memory_space<hbm>>) dst(%dma_wait3A_97 : memref<128x128xf32, #tpu.memory_space<vmem>>)
    "tpu.region"() ({
      %run_scoped3A_184 = tpu.sem_alloc : memref<!tpu.dma_semaphore, #tpu.memory_space<semaphore_mem>>
      %dma_start3A_185 = arith.constant 0 : i32
      %dma_start3A_186 = tpu.memref_slice %arg6[%mul3A_2, %dma_start3A_185] : memref<16384x128xf32, #tpu.memory_space<hbm>> -> memref<512x128xf32, #tpu.memory_space<hbm>>
      %dma_start3A_187 = arith.constant 0 : i32
      %dma_start3A_188 = tpu.memref_slice %arg6[%mul3A_2, %dma_start3A_187] : memref<16384x128xf32, #tpu.memory_space<hbm>> -> memref<512x128xf32, #tpu.memory_space<hbm>>
      tpu.enqueue_dma source(%arg10 : memref<512x128xf32, #tpu.memory_space<vmem>>) target(%dma_start3A_188 : memref<512x128xf32, #tpu.memory_space<hbm>>) target_semaphore(%run_scoped3A_184 : memref<!tpu.dma_semaphore, #tpu.memory_space<semaphore_mem>>)
      %dma_wait3A_189 = arith.constant 0 : i32
      %dma_wait3A_190 = tpu.memref_slice %arg6[%mul3A_2, %dma_wait3A_189] : memref<16384x128xf32, #tpu.memory_space<hbm>> -> memref<512x128xf32, #tpu.memory_space<hbm>>
      %dma_wait3A_191 = arith.constant 0 : i32
      %dma_wait3A_192 = tpu.memref_slice %arg6[%mul3A_2, %dma_wait3A_191] : memref<16384x128xf32, #tpu.memory_space<hbm>> -> memref<512x128xf32, #tpu.memory_space<hbm>>
      tpu.wait_dma2 semaphore(%run_scoped3A_184 : memref<!tpu.dma_semaphore, #tpu.memory_space<semaphore_mem>>) src(%arg10 : memref<512x128xf32, #tpu.memory_space<vmem>>) dst(%dma_wait3A_192 : memref<512x128xf32, #tpu.memory_space<hbm>>)
      tpu.yield
    }) : () -> ()
    %dma_start3A_104 = arith.constant 0 : i32
    %dma_start3A_105 = arith.constant 0 : i32
    %dma_start3A_106 = arith.constant 0 : i32
    %dma_start3A_107 = tpu.memref_slice %arg10[%dma_start3A_105, %dma_start3A_106] : memref<512x128xf32, #tpu.memory_space<vmem>> -> memref<128x128xf32, #tpu.memory_space<vmem>>
    %dma_start3A_108 = arith.constant 0 : i32
    %dma_start3A_109 = tpu.memref_slice %arg9[%dma_start3A_104, %dma_start3A_108] : memref<4x128xi32, #tpu.memory_space<vmem>> -> memref<1x128xi32, #tpu.memory_space<vmem>>
    %dma_start3A_110 = tpu.memref_squeeze %dma_start3A_109 : memref<1x128xi32, #tpu.memory_space<vmem>> -> memref<128xi32, #tpu.memory_space<vmem>>
    %dma_start3A_111 = arith.constant 0 : i32
    %dma_start3A_112 = arith.constant 0 : i32
    %dma_start3A_113 = tpu.memref_slice %arg5[%dma_start3A_111, %dma_start3A_112] : memref<50000x128xf32, #tpu.memory_space<hbm>> -> memref<50000x128xf32, #tpu.memory_space<hbm>>
    tpu.enqueue_indirect_dma source(%dma_start3A_113 : memref<50000x128xf32, #tpu.memory_space<hbm>>) target(%dma_start3A_107 : memref<128x128xf32, #tpu.memory_space<vmem>>) offsets(%dma_start3A_110 : memref<128xi32, #tpu.memory_space<vmem>>) semaphore(%arg11 : memref<!tpu.dma_semaphore, #tpu.memory_space<semaphore_mem>>)
    %dma_start3A_114 = arith.constant 1 : i32
    %dma_start3A_115 = arith.constant 128 : i32
    %dma_start3A_116 = arith.constant 0 : i32
    %dma_start3A_117 = tpu.memref_slice %arg10[%dma_start3A_115, %dma_start3A_116] : memref<512x128xf32, #tpu.memory_space<vmem>> -> memref<128x128xf32, #tpu.memory_space<vmem>>
    %dma_start3A_118 = arith.constant 0 : i32
    %dma_start3A_119 = tpu.memref_slice %arg9[%dma_start3A_114, %dma_start3A_118] : memref<4x128xi32, #tpu.memory_space<vmem>> -> memref<1x128xi32, #tpu.memory_space<vmem>>
    %dma_start3A_120 = tpu.memref_squeeze %dma_start3A_119 : memref<1x128xi32, #tpu.memory_space<vmem>> -> memref<128xi32, #tpu.memory_space<vmem>>
    %dma_start3A_121 = arith.constant 0 : i32
    %dma_start3A_122 = arith.constant 0 : i32
    %dma_start3A_123 = tpu.memref_slice %arg5[%dma_start3A_121, %dma_start3A_122] : memref<50000x128xf32, #tpu.memory_space<hbm>> -> memref<50000x128xf32, #tpu.memory_space<hbm>>
    tpu.enqueue_indirect_dma source(%dma_start3A_123 : memref<50000x128xf32, #tpu.memory_space<hbm>>) target(%dma_start3A_117 : memref<128x128xf32, #tpu.memory_space<vmem>>) offsets(%dma_start3A_120 : memref<128xi32, #tpu.memory_space<vmem>>) semaphore(%arg11 : memref<!tpu.dma_semaphore, #tpu.memory_space<semaphore_mem>>)
    %dma_start3A_124 = arith.constant 2 : i32
    %dma_start3A_125 = arith.constant 256 : i32
    %dma_start3A_126 = arith.constant 0 : i32
    %dma_start3A_127 = tpu.memref_slice %arg10[%dma_start3A_125, %dma_start3A_126] : memref<512x128xf32, #tpu.memory_space<vmem>> -> memref<128x128xf32, #tpu.memory_space<vmem>>
    %dma_start3A_128 = arith.constant 0 : i32
    %dma_start3A_129 = tpu.memref_slice %arg9[%dma_start3A_124, %dma_start3A_128] : memref<4x128xi32, #tpu.memory_space<vmem>> -> memref<1x128xi32, #tpu.memory_space<vmem>>
    %dma_start3A_130 = tpu.memref_squeeze %dma_start3A_129 : memref<1x128xi32, #tpu.memory_space<vmem>> -> memref<128xi32, #tpu.memory_space<vmem>>
    %dma_start3A_131 = arith.constant 0 : i32
    %dma_start3A_132 = arith.constant 0 : i32
    %dma_start3A_133 = tpu.memref_slice %arg5[%dma_start3A_131, %dma_start3A_132] : memref<50000x128xf32, #tpu.memory_space<hbm>> -> memref<50000x128xf32, #tpu.memory_space<hbm>>
    tpu.enqueue_indirect_dma source(%dma_start3A_133 : memref<50000x128xf32, #tpu.memory_space<hbm>>) target(%dma_start3A_127 : memref<128x128xf32, #tpu.memory_space<vmem>>) offsets(%dma_start3A_130 : memref<128xi32, #tpu.memory_space<vmem>>) semaphore(%arg11 : memref<!tpu.dma_semaphore, #tpu.memory_space<semaphore_mem>>)
    %dma_start3A_134 = arith.constant 3 : i32
    %dma_start3A_135 = arith.constant 384 : i32
    %dma_start3A_136 = arith.constant 0 : i32
    %dma_start3A_137 = tpu.memref_slice %arg10[%dma_start3A_135, %dma_start3A_136] : memref<512x128xf32, #tpu.memory_space<vmem>> -> memref<128x128xf32, #tpu.memory_space<vmem>>
    %dma_start3A_138 = arith.constant 0 : i32
    %dma_start3A_139 = tpu.memref_slice %arg9[%dma_start3A_134, %dma_start3A_138] : memref<4x128xi32, #tpu.memory_space<vmem>> -> memref<1x128xi32, #tpu.memory_space<vmem>>
    %dma_start3A_140 = tpu.memref_squeeze %dma_start3A_139 : memref<1x128xi32, #tpu.memory_space<vmem>> -> memref<128xi32, #tpu.memory_space<vmem>>
    %dma_start3A_141 = arith.constant 0 : i32
    %dma_start3A_142 = arith.constant 0 : i32
    %dma_start3A_143 = tpu.memref_slice %arg5[%dma_start3A_141, %dma_start3A_142] : memref<50000x128xf32, #tpu.memory_space<hbm>> -> memref<50000x128xf32, #tpu.memory_space<hbm>>
    tpu.enqueue_indirect_dma source(%dma_start3A_143 : memref<50000x128xf32, #tpu.memory_space<hbm>>) target(%dma_start3A_137 : memref<128x128xf32, #tpu.memory_space<vmem>>) offsets(%dma_start3A_140 : memref<128xi32, #tpu.memory_space<vmem>>) semaphore(%arg11 : memref<!tpu.dma_semaphore, #tpu.memory_space<semaphore_mem>>)
    %dma_wait3A_144 = arith.constant 0 : i32
    %dma_wait3A_145 = arith.constant 0 : i32
    %dma_wait3A_146 = arith.constant 0 : i32
    %dma_wait3A_147 = tpu.memref_slice %arg10[%dma_wait3A_145, %dma_wait3A_146] : memref<512x128xf32, #tpu.memory_space<vmem>> -> memref<128x128xf32, #tpu.memory_space<vmem>>
    %dma_wait3A_148 = arith.constant 0 : i32
    %dma_wait3A_149 = tpu.memref_slice %arg9[%dma_wait3A_144, %dma_wait3A_148] : memref<4x128xi32, #tpu.memory_space<vmem>> -> memref<1x128xi32, #tpu.memory_space<vmem>>
    %dma_wait3A_150 = tpu.memref_squeeze %dma_wait3A_149 : memref<1x128xi32, #tpu.memory_space<vmem>> -> memref<128xi32, #tpu.memory_space<vmem>>
    %dma_wait3A_151 = arith.constant 0 : i32
    %dma_wait3A_152 = arith.constant 0 : i32
    %dma_wait3A_153 = tpu.memref_slice %arg5[%dma_wait3A_151, %dma_wait3A_152] : memref<50000x128xf32, #tpu.memory_space<hbm>> -> memref<50000x128xf32, #tpu.memory_space<hbm>>
    tpu.wait_indirect_dma semaphore(%arg11 : memref<!tpu.dma_semaphore, #tpu.memory_space<semaphore_mem>>) src(%dma_wait3A_153 : memref<50000x128xf32, #tpu.memory_space<hbm>>) dst(%dma_wait3A_147 : memref<128x128xf32, #tpu.memory_space<vmem>>)
    %dma_wait3A_154 = arith.constant 1 : i32
    %dma_wait3A_155 = arith.constant 128 : i32
    %dma_wait3A_156 = arith.constant 0 : i32
    %dma_wait3A_157 = tpu.memref_slice %arg10[%dma_wait3A_155, %dma_wait3A_156] : memref<512x128xf32, #tpu.memory_space<vmem>> -> memref<128x128xf32, #tpu.memory_space<vmem>>
    %dma_wait3A_158 = arith.constant 0 : i32
    %dma_wait3A_159 = tpu.memref_slice %arg9[%dma_wait3A_154, %dma_wait3A_158] : memref<4x128xi32, #tpu.memory_space<vmem>> -> memref<1x128xi32, #tpu.memory_space<vmem>>
    %dma_wait3A_160 = tpu.memref_squeeze %dma_wait3A_159 : memref<1x128xi32, #tpu.memory_space<vmem>> -> memref<128xi32, #tpu.memory_space<vmem>>
    %dma_wait3A_161 = arith.constant 0 : i32
    %dma_wait3A_162 = arith.constant 0 : i32
    %dma_wait3A_163 = tpu.memref_slice %arg5[%dma_wait3A_161, %dma_wait3A_162] : memref<50000x128xf32, #tpu.memory_space<hbm>> -> memref<50000x128xf32, #tpu.memory_space<hbm>>
    tpu.wait_indirect_dma semaphore(%arg11 : memref<!tpu.dma_semaphore, #tpu.memory_space<semaphore_mem>>) src(%dma_wait3A_163 : memref<50000x128xf32, #tpu.memory_space<hbm>>) dst(%dma_wait3A_157 : memref<128x128xf32, #tpu.memory_space<vmem>>)
    %dma_wait3A_164 = arith.constant 2 : i32
    %dma_wait3A_165 = arith.constant 256 : i32
    %dma_wait3A_166 = arith.constant 0 : i32
    %dma_wait3A_167 = tpu.memref_slice %arg10[%dma_wait3A_165, %dma_wait3A_166] : memref<512x128xf32, #tpu.memory_space<vmem>> -> memref<128x128xf32, #tpu.memory_space<vmem>>
    %dma_wait3A_168 = arith.constant 0 : i32
    %dma_wait3A_169 = tpu.memref_slice %arg9[%dma_wait3A_164, %dma_wait3A_168] : memref<4x128xi32, #tpu.memory_space<vmem>> -> memref<1x128xi32, #tpu.memory_space<vmem>>
    %dma_wait3A_170 = tpu.memref_squeeze %dma_wait3A_169 : memref<1x128xi32, #tpu.memory_space<vmem>> -> memref<128xi32, #tpu.memory_space<vmem>>
    %dma_wait3A_171 = arith.constant 0 : i32
    %dma_wait3A_172 = arith.constant 0 : i32
    %dma_wait3A_173 = tpu.memref_slice %arg5[%dma_wait3A_171, %dma_wait3A_172] : memref<50000x128xf32, #tpu.memory_space<hbm>> -> memref<50000x128xf32, #tpu.memory_space<hbm>>
    tpu.wait_indirect_dma semaphore(%arg11 : memref<!tpu.dma_semaphore, #tpu.memory_space<semaphore_mem>>) src(%dma_wait3A_173 : memref<50000x128xf32, #tpu.memory_space<hbm>>) dst(%dma_wait3A_167 : memref<128x128xf32, #tpu.memory_space<vmem>>)
    %dma_wait3A_174 = arith.constant 3 : i32
    %dma_wait3A_175 = arith.constant 384 : i32
    %dma_wait3A_176 = arith.constant 0 : i32
    %dma_wait3A_177 = tpu.memref_slice %arg10[%dma_wait3A_175, %dma_wait3A_176] : memref<512x128xf32, #tpu.memory_space<vmem>> -> memref<128x128xf32, #tpu.memory_space<vmem>>
    %dma_wait3A_178 = arith.constant 0 : i32
    %dma_wait3A_179 = tpu.memref_slice %arg9[%dma_wait3A_174, %dma_wait3A_178] : memref<4x128xi32, #tpu.memory_space<vmem>> -> memref<1x128xi32, #tpu.memory_space<vmem>>
    %dma_wait3A_180 = tpu.memref_squeeze %dma_wait3A_179 : memref<1x128xi32, #tpu.memory_space<vmem>> -> memref<128xi32, #tpu.memory_space<vmem>>
    %dma_wait3A_181 = arith.constant 0 : i32
    %dma_wait3A_182 = arith.constant 0 : i32
    %dma_wait3A_183 = tpu.memref_slice %arg5[%dma_wait3A_181, %dma_wait3A_182] : memref<50000x128xf32, #tpu.memory_space<hbm>> -> memref<50000x128xf32, #tpu.memory_space<hbm>>
    tpu.wait_indirect_dma semaphore(%arg11 : memref<!tpu.dma_semaphore, #tpu.memory_space<semaphore_mem>>) src(%dma_wait3A_183 : memref<50000x128xf32, #tpu.memory_space<hbm>>) dst(%dma_wait3A_177 : memref<128x128xf32, #tpu.memory_space<vmem>>)
    "tpu.region"() ({
      %run_scoped3A_184 = tpu.sem_alloc : memref<!tpu.dma_semaphore, #tpu.memory_space<semaphore_mem>>
      %dma_start3A_185 = arith.constant 0 : i32
      %dma_start3A_186 = tpu.memref_slice %arg7[%mul3A_2, %dma_start3A_185] : memref<16384x128xf32, #tpu.memory_space<hbm>> -> memref<512x128xf32, #tpu.memory_space<hbm>>
      %dma_start3A_187 = arith.constant 0 : i32
      %dma_start3A_188 = tpu.memref_slice %arg7[%mul3A_2, %dma_start3A_187] : memref<16384x128xf32, #tpu.memory_space<hbm>> -> memref<512x128xf32, #tpu.memory_space<hbm>>
      tpu.enqueue_dma source(%arg10 : memref<512x128xf32, #tpu.memory_space<vmem>>) target(%dma_start3A_188 : memref<512x128xf32, #tpu.memory_space<hbm>>) target_semaphore(%run_scoped3A_184 : memref<!tpu.dma_semaphore, #tpu.memory_space<semaphore_mem>>)
      %dma_wait3A_189 = arith.constant 0 : i32
      %dma_wait3A_190 = tpu.memref_slice %arg7[%mul3A_2, %dma_wait3A_189] : memref<16384x128xf32, #tpu.memory_space<hbm>> -> memref<512x128xf32, #tpu.memory_space<hbm>>
      %dma_wait3A_191 = arith.constant 0 : i32
      %dma_wait3A_192 = tpu.memref_slice %arg7[%mul3A_2, %dma_wait3A_191] : memref<16384x128xf32, #tpu.memory_space<hbm>> -> memref<512x128xf32, #tpu.memory_space<hbm>>
      tpu.wait_dma2 semaphore(%run_scoped3A_184 : memref<!tpu.dma_semaphore, #tpu.memory_space<semaphore_mem>>) src(%arg10 : memref<512x128xf32, #tpu.memory_space<vmem>>) dst(%dma_wait3A_192 : memref<512x128xf32, #tpu.memory_space<hbm>>)
      tpu.yield
    }) : () -> ()
    return
  }
}

module attributes {stable_mosaic.version = 14 : i64} {
  func.func @_mlp_body(%arg0: i32, %arg1: memref<2048x128xf32, #tpu.memory_space<vmem>>, %arg2: memref<2048x128xf32, #tpu.memory_space<vmem>>, %arg3: memref<2048x1xi32, #tpu.memory_space<vmem>>, %arg4: memref<2048x1xi32, #tpu.memory_space<vmem>>, %arg5: memref<1x64xf32, #tpu.memory_space<vmem>>, %arg6: memref<1x64xf32, #tpu.memory_space<vmem>>, %arg7: memref<64x150xf32, #tpu.memory_space<vmem>>, %arg8: memref<64x150xf32, #tpu.memory_space<vmem>>, %arg9: memref<1x150xf32, #tpu.memory_space<vmem>>, %arg10: memref<150x100xf32, #tpu.memory_space<vmem>>, %arg11: memref<1x100xf32, #tpu.memory_space<vmem>>, %arg12: memref<100x50xf32, #tpu.memory_space<vmem>>, %arg13: memref<1x50xf32, #tpu.memory_space<vmem>>, %arg14: memref<50x20xf32, #tpu.memory_space<vmem>>, %arg15: memref<1x20xf32, #tpu.memory_space<vmem>>, %arg16: memref<20x1xf32, #tpu.memory_space<vmem>>, %arg17: memref<1x1xf32, #tpu.memory_space<vmem>>, %arg18: memref<2048x1xf32, #tpu.memory_space<vmem>>) attributes {dimension_semantics = [#tpu.dimension_semantics<arbitrary>], iteration_bounds = array<i64: 8>, scalar_prefetch = 0 : i64, scratch_operands = 0 : i64, tpu.core_type = #tpu.core_type<tc>, window_params = [{transform_indices = @transform_0, window_bounds = array<i64: 2048, 128>}, {transform_indices = @transform_1, window_bounds = array<i64: 2048, 128>}, {transform_indices = @transform_2, window_bounds = array<i64: 2048, 1>}, {transform_indices = @transform_3, window_bounds = array<i64: 2048, 1>}, {pipeline_mode = #tpu.pipeline_mode<synchronous>, transform_indices = @transform_4, window_bounds = array<i64: 1, 64>}, {pipeline_mode = #tpu.pipeline_mode<synchronous>, transform_indices = @transform_5, window_bounds = array<i64: 1, 64>}, {pipeline_mode = #tpu.pipeline_mode<synchronous>, transform_indices = @transform_6, window_bounds = array<i64: 64, 150>}, {pipeline_mode = #tpu.pipeline_mode<synchronous>, transform_indices = @transform_7, window_bounds = array<i64: 64, 150>}, {pipeline_mode = #tpu.pipeline_mode<synchronous>, transform_indices = @transform_8, window_bounds = array<i64: 1, 150>}, {pipeline_mode = #tpu.pipeline_mode<synchronous>, transform_indices = @transform_9, window_bounds = array<i64: 150, 100>}, {pipeline_mode = #tpu.pipeline_mode<synchronous>, transform_indices = @transform_10, window_bounds = array<i64: 1, 100>}, {pipeline_mode = #tpu.pipeline_mode<synchronous>, transform_indices = @transform_11, window_bounds = array<i64: 100, 50>}, {pipeline_mode = #tpu.pipeline_mode<synchronous>, transform_indices = @transform_12, window_bounds = array<i64: 1, 50>}, {pipeline_mode = #tpu.pipeline_mode<synchronous>, transform_indices = @transform_13, window_bounds = array<i64: 50, 20>}, {pipeline_mode = #tpu.pipeline_mode<synchronous>, transform_indices = @transform_14, window_bounds = array<i64: 1, 20>}, {pipeline_mode = #tpu.pipeline_mode<synchronous>, transform_indices = @transform_15, window_bounds = array<i64: 20, 1>}, {pipeline_mode = #tpu.pipeline_mode<synchronous>, transform_indices = @transform_16, window_bounds = array<i64: 1, 1>}, {transform_indices = @transform_17, window_bounds = array<i64: 2048, 1>}]} {
    %get3A = arith.constant 0 : index
    %get3A_0 = arith.constant 0 : index
    %get3A_1 = vector.load %arg3[%get3A, %get3A_0] : memref<2048x1xi32, #tpu.memory_space<vmem>>, vector<2048x1xi32>
    %get3A_2 = arith.constant 0 : index
    %get3A_3 = arith.constant 0 : index
    %get3A_4 = vector.load %arg4[%get3A_2, %get3A_3] : memref<2048x1xi32, #tpu.memory_space<vmem>>, vector<2048x1xi32>
    %and3A = arith.constant 1 : i32
    %and3A_5 = vector.broadcast %and3A : i32 to vector<2048x1xi32>
    %and3A_6 = arith.andi %get3A_1, %and3A_5 : vector<2048x1xi32>
    %convert_element_type3A = arith.sitofp %and3A_6 : vector<2048x1xi32> to vector<2048x1xf32>
    %and3A_7 = arith.constant 1 : i32
    %and3A_8 = vector.broadcast %and3A_7 : i32 to vector<2048x1xi32>
    %and3A_9 = arith.andi %get3A_4, %and3A_8 : vector<2048x1xi32>
    %convert_element_type3A_10 = arith.sitofp %and3A_9 : vector<2048x1xi32> to vector<2048x1xf32>
    %get3A_11 = arith.constant 0 : index
    %get3A_12 = arith.constant 0 : index
    %get3A_13 = vector.load %arg1[%get3A_11, %get3A_12] : memref<2048x128xf32, #tpu.memory_space<vmem>>, vector<2048x128xf32>
    %get3A_14 = arith.constant 0 : index
    %get3A_15 = arith.constant 0 : index
    %get3A_16 = vector.load %arg2[%get3A_14, %get3A_15] : memref<2048x128xf32, #tpu.memory_space<vmem>>, vector<2048x128xf32>
    %slice3A = vector.extract_strided_slice %get3A_13 {offsets = [0, 0], sizes = [2048, 64], strides = [1, 1]} : vector<2048x128xf32> to vector<2048x64xf32>
    %sub3A = arith.constant 1.000000e+00 : f32
    %sub3A_17 = vector.broadcast %sub3A : f32 to vector<2048x1xf32>
    %sub3A_18 = arith.subf %sub3A_17, %convert_element_type3A : vector<2048x1xf32>
    %mul3A = vector.broadcast %sub3A_18 : vector<2048x1xf32> to vector<2048x64xf32>
    %mul3A_19 = arith.mulf %slice3A, %mul3A : vector<2048x64xf32>
    %slice3A_20 = vector.extract_strided_slice %get3A_13 {offsets = [0, 64], sizes = [2048, 64], strides = [1, 1]} : vector<2048x128xf32> to vector<2048x64xf32>
    %mul3A_21 = vector.broadcast %convert_element_type3A : vector<2048x1xf32> to vector<2048x64xf32>
    %mul3A_22 = arith.mulf %slice3A_20, %mul3A_21 : vector<2048x64xf32>
    %add3A = arith.addf %mul3A_19, %mul3A_22 : vector<2048x64xf32>
    %slice3A_23 = vector.extract_strided_slice %get3A_16 {offsets = [0, 0], sizes = [2048, 64], strides = [1, 1]} : vector<2048x128xf32> to vector<2048x64xf32>
    %sub3A_24 = arith.constant 1.000000e+00 : f32
    %sub3A_25 = vector.broadcast %sub3A_24 : f32 to vector<2048x1xf32>
    %sub3A_26 = arith.subf %sub3A_25, %convert_element_type3A_10 : vector<2048x1xf32>
    %mul3A_27 = vector.broadcast %sub3A_26 : vector<2048x1xf32> to vector<2048x64xf32>
    %mul3A_28 = arith.mulf %slice3A_23, %mul3A_27 : vector<2048x64xf32>
    %slice3A_29 = vector.extract_strided_slice %get3A_16 {offsets = [0, 64], sizes = [2048, 64], strides = [1, 1]} : vector<2048x128xf32> to vector<2048x64xf32>
    %mul3A_30 = vector.broadcast %convert_element_type3A_10 : vector<2048x1xf32> to vector<2048x64xf32>
    %mul3A_31 = arith.mulf %slice3A_29, %mul3A_30 : vector<2048x64xf32>
    %add3A_32 = arith.addf %mul3A_28, %mul3A_31 : vector<2048x64xf32>
    %eq3A = arith.constant 1000000 : i32
    %eq3A_33 = vector.broadcast %eq3A : i32 to vector<2048x1xi32>
    %eq3A_34 = arith.cmpi eq, %get3A_1, %eq3A_33 : vector<2048x1xi32>
    %get3A_35 = arith.constant 0 : index
    %get3A_36 = arith.constant 0 : index
    %get3A_37 = vector.load %arg5[%get3A_35, %get3A_36] : memref<1x64xf32, #tpu.memory_space<vmem>>, vector<1x64xf32>
    %broadcast_in_dim3A = vector.shape_cast %eq3A_34 : vector<2048x1xi1> to vector<2048x1xi1>
    %broadcast_in_dim3A_38 = vector.broadcast %broadcast_in_dim3A : vector<2048x1xi1> to vector<2048x64xi1>
    %broadcast_in_dim3A_39 = vector.shape_cast %get3A_37 : vector<1x64xf32> to vector<1x64xf32>
    %broadcast_in_dim3A_40 = vector.broadcast %broadcast_in_dim3A_39 : vector<1x64xf32> to vector<2048x64xf32>
    %select_n3A = arith.select %broadcast_in_dim3A_38, %broadcast_in_dim3A_40, %add3A : vector<2048x64xi1>, vector<2048x64xf32>
    %eq3A_41 = arith.constant 100000 : i32
    %eq3A_42 = vector.broadcast %eq3A_41 : i32 to vector<2048x1xi32>
    %eq3A_43 = arith.cmpi eq, %get3A_4, %eq3A_42 : vector<2048x1xi32>
    %get3A_44 = arith.constant 0 : index
    %get3A_45 = arith.constant 0 : index
    %get3A_46 = vector.load %arg6[%get3A_44, %get3A_45] : memref<1x64xf32, #tpu.memory_space<vmem>>, vector<1x64xf32>
    %broadcast_in_dim3A_47 = vector.shape_cast %eq3A_43 : vector<2048x1xi1> to vector<2048x1xi1>
    %broadcast_in_dim3A_48 = vector.broadcast %broadcast_in_dim3A_47 : vector<2048x1xi1> to vector<2048x64xi1>
    %broadcast_in_dim3A_49 = vector.shape_cast %get3A_46 : vector<1x64xf32> to vector<1x64xf32>
    %broadcast_in_dim3A_50 = vector.broadcast %broadcast_in_dim3A_49 : vector<1x64xf32> to vector<2048x64xf32>
    %select_n3A_51 = arith.select %broadcast_in_dim3A_48, %broadcast_in_dim3A_50, %add3A_32 : vector<2048x64xi1>, vector<2048x64xf32>
    %get3A_52 = arith.constant 0 : index
    %get3A_53 = arith.constant 0 : index
    %get3A_54 = vector.load %arg7[%get3A_52, %get3A_53] : memref<64x150xf32, #tpu.memory_space<vmem>>, vector<64x150xf32>
    %dot_general3A = arith.constant dense<0.000000e+00> : vector<2048x150xf32>
    %dot_general3A_55 = tpu.matmul %select_n3A, %get3A_54, %dot_general3A {dimension_numbers = #tpu.dot_dimension_numbers<[1], [0], [0], [1], [0, 0, 1, 1], [], []>, precision = #tpu.contract_precision<fp32>, transpose_lhs_hint = false} : vector<2048x64xf32>, vector<64x150xf32>, vector<2048x150xf32> -> vector<2048x150xf32>
    %get3A_56 = arith.constant 0 : index
    %get3A_57 = arith.constant 0 : index
    %get3A_58 = vector.load %arg8[%get3A_56, %get3A_57] : memref<64x150xf32, #tpu.memory_space<vmem>>, vector<64x150xf32>
    %dot_general3A_59 = arith.constant dense<0.000000e+00> : vector<2048x150xf32>
    %dot_general3A_60 = tpu.matmul %select_n3A_51, %get3A_58, %dot_general3A_59 {dimension_numbers = #tpu.dot_dimension_numbers<[1], [0], [0], [1], [0, 0, 1, 1], [], []>, precision = #tpu.contract_precision<fp32>, transpose_lhs_hint = false} : vector<2048x64xf32>, vector<64x150xf32>, vector<2048x150xf32> -> vector<2048x150xf32>
    %add3A_61 = arith.addf %dot_general3A_55, %dot_general3A_60 : vector<2048x150xf32>
    %get3A_62 = arith.constant 0 : index
    %get3A_63 = arith.constant 0 : index
    %get3A_64 = vector.load %arg9[%get3A_62, %get3A_63] : memref<1x150xf32, #tpu.memory_space<vmem>>, vector<1x150xf32>
    %add3A_65 = vector.broadcast %get3A_64 : vector<1x150xf32> to vector<2048x150xf32>
    %add3A_66 = arith.addf %add3A_61, %add3A_65 : vector<2048x150xf32>
    %max3A = arith.constant 0.000000e+00 : f32
    %max3A_67 = vector.broadcast %max3A : f32 to vector<2048x150xf32>
    %max3A_68 = arith.maximumf %add3A_66, %max3A_67 : vector<2048x150xf32>
    %get3A_69 = arith.constant 0 : index
    %get3A_70 = arith.constant 0 : index
    %get3A_71 = vector.load %arg10[%get3A_69, %get3A_70] : memref<150x100xf32, #tpu.memory_space<vmem>>, vector<150x100xf32>
    %dot_general3A_72 = arith.constant dense<0.000000e+00> : vector<2048x100xf32>
    %dot_general3A_73 = tpu.matmul %max3A_68, %get3A_71, %dot_general3A_72 {dimension_numbers = #tpu.dot_dimension_numbers<[1], [0], [0], [1], [0, 0, 1, 1], [], []>, precision = #tpu.contract_precision<fp32>, transpose_lhs_hint = false} : vector<2048x150xf32>, vector<150x100xf32>, vector<2048x100xf32> -> vector<2048x100xf32>
    %get3A_74 = arith.constant 0 : index
    %get3A_75 = arith.constant 0 : index
    %get3A_76 = vector.load %arg11[%get3A_74, %get3A_75] : memref<1x100xf32, #tpu.memory_space<vmem>>, vector<1x100xf32>
    %add3A_77 = vector.broadcast %get3A_76 : vector<1x100xf32> to vector<2048x100xf32>
    %add3A_78 = arith.addf %dot_general3A_73, %add3A_77 : vector<2048x100xf32>
    %max3A_79 = arith.constant 0.000000e+00 : f32
    %max3A_80 = vector.broadcast %max3A_79 : f32 to vector<2048x100xf32>
    %max3A_81 = arith.maximumf %add3A_78, %max3A_80 : vector<2048x100xf32>
    %get3A_82 = arith.constant 0 : index
    %get3A_83 = arith.constant 0 : index
    %get3A_84 = vector.load %arg12[%get3A_82, %get3A_83] : memref<100x50xf32, #tpu.memory_space<vmem>>, vector<100x50xf32>
    %dot_general3A_85 = arith.constant dense<0.000000e+00> : vector<2048x50xf32>
    %dot_general3A_86 = tpu.matmul %max3A_81, %get3A_84, %dot_general3A_85 {dimension_numbers = #tpu.dot_dimension_numbers<[1], [0], [0], [1], [0, 0, 1, 1], [], []>, precision = #tpu.contract_precision<fp32>, transpose_lhs_hint = false} : vector<2048x100xf32>, vector<100x50xf32>, vector<2048x50xf32> -> vector<2048x50xf32>
    %get3A_87 = arith.constant 0 : index
    %get3A_88 = arith.constant 0 : index
    %get3A_89 = vector.load %arg13[%get3A_87, %get3A_88] : memref<1x50xf32, #tpu.memory_space<vmem>>, vector<1x50xf32>
    %add3A_90 = vector.broadcast %get3A_89 : vector<1x50xf32> to vector<2048x50xf32>
    %add3A_91 = arith.addf %dot_general3A_86, %add3A_90 : vector<2048x50xf32>
    %max3A_92 = arith.constant 0.000000e+00 : f32
    %max3A_93 = vector.broadcast %max3A_92 : f32 to vector<2048x50xf32>
    %max3A_94 = arith.maximumf %add3A_91, %max3A_93 : vector<2048x50xf32>
    %get3A_95 = arith.constant 0 : index
    %get3A_96 = arith.constant 0 : index
    %get3A_97 = vector.load %arg14[%get3A_95, %get3A_96] : memref<50x20xf32, #tpu.memory_space<vmem>>, vector<50x20xf32>
    %dot_general3A_98 = arith.constant dense<0.000000e+00> : vector<2048x20xf32>
    %dot_general3A_99 = tpu.matmul %max3A_94, %get3A_97, %dot_general3A_98 {dimension_numbers = #tpu.dot_dimension_numbers<[1], [0], [0], [1], [0, 0, 1, 1], [], []>, precision = #tpu.contract_precision<fp32>, transpose_lhs_hint = false} : vector<2048x50xf32>, vector<50x20xf32>, vector<2048x20xf32> -> vector<2048x20xf32>
    %get3A_100 = arith.constant 0 : index
    %get3A_101 = arith.constant 0 : index
    %get3A_102 = vector.load %arg15[%get3A_100, %get3A_101] : memref<1x20xf32, #tpu.memory_space<vmem>>, vector<1x20xf32>
    %add3A_103 = vector.broadcast %get3A_102 : vector<1x20xf32> to vector<2048x20xf32>
    %add3A_104 = arith.addf %dot_general3A_99, %add3A_103 : vector<2048x20xf32>
    %max3A_105 = arith.constant 0.000000e+00 : f32
    %max3A_106 = vector.broadcast %max3A_105 : f32 to vector<2048x20xf32>
    %max3A_107 = arith.maximumf %add3A_104, %max3A_106 : vector<2048x20xf32>
    %get3A_108 = arith.constant 0 : index
    %get3A_109 = arith.constant 0 : index
    %get3A_110 = vector.load %arg16[%get3A_108, %get3A_109] : memref<20x1xf32, #tpu.memory_space<vmem>>, vector<20x1xf32>
    %dot_general3A_111 = arith.constant dense<0.000000e+00> : vector<2048x1xf32>
    %dot_general3A_112 = tpu.matmul %max3A_107, %get3A_110, %dot_general3A_111 {dimension_numbers = #tpu.dot_dimension_numbers<[1], [0], [0], [1], [0, 0, 1, 1], [], []>, precision = #tpu.contract_precision<fp32>, transpose_lhs_hint = false} : vector<2048x20xf32>, vector<20x1xf32>, vector<2048x1xf32> -> vector<2048x1xf32>
    %get3A_113 = arith.constant 0 : index
    %get3A_114 = arith.constant 0 : index
    %get3A_115 = vector.load %arg17[%get3A_113, %get3A_114] : memref<1x1xf32, #tpu.memory_space<vmem>>, vector<1x1xf32>
    %add3A_116 = vector.broadcast %get3A_115 : vector<1x1xf32> to vector<2048x1xf32>
    %add3A_117 = arith.addf %dot_general3A_112, %add3A_116 : vector<2048x1xf32>
    %max3A_118 = arith.constant 0.000000e+00 : f32
    %max3A_119 = vector.broadcast %max3A_118 : f32 to vector<2048x1xf32>
    %max3A_120 = arith.maximumf %add3A_117, %max3A_119 : vector<2048x1xf32>
    %swap3A = arith.constant 0 : index
    %swap3A_121 = arith.constant 0 : index
    %swap3A_122 = vector.load %arg18[%swap3A, %swap3A_121] : memref<2048x1xf32, #tpu.memory_space<vmem>>, vector<2048x1xf32>
    tpu.vector_store %arg18[%swap3A, %swap3A_121], %max3A_120 {strides = array<i32>} : memref<2048x1xf32, #tpu.memory_space<vmem>>, vector<2048x1xf32>,
    return
  }
  func.func @transform_0(%arg0: i32) -> (i32, i32) {
    %c0_i32 = arith.constant 0 : i32
    %c0_i32_0 = arith.constant 0 : i32
    return %arg0, %c0_i32 : i32, i32
  }
  func.func @transform_1(%arg0: i32) -> (i32, i32) {
    %c0_i32 = arith.constant 0 : i32
    %c0_i32_0 = arith.constant 0 : i32
    return %arg0, %c0_i32 : i32, i32
  }
  func.func @transform_2(%arg0: i32) -> (i32, i32) {
    %c0_i32 = arith.constant 0 : i32
    %c0_i32_0 = arith.constant 0 : i32
    return %arg0, %c0_i32 : i32, i32
  }
  func.func @transform_3(%arg0: i32) -> (i32, i32) {
    %c0_i32 = arith.constant 0 : i32
    %c0_i32_0 = arith.constant 0 : i32
    return %arg0, %c0_i32 : i32, i32
  }
  func.func @transform_4(%arg0: i32) -> (i32, i32) {
    %c0_i32 = arith.constant 0 : i32
    %c0_i32_0 = arith.constant 0 : i32
    %c0_i32_1 = arith.constant 0 : i32
    return %c0_i32, %c0_i32_0 : i32, i32
  }
  func.func @transform_5(%arg0: i32) -> (i32, i32) {
    %c0_i32 = arith.constant 0 : i32
    %c0_i32_0 = arith.constant 0 : i32
    %c0_i32_1 = arith.constant 0 : i32
    return %c0_i32, %c0_i32_0 : i32, i32
  }
  func.func @transform_6(%arg0: i32) -> (i32, i32) {
    %c0_i32 = arith.constant 0 : i32
    %c0_i32_0 = arith.constant 0 : i32
    %c0_i32_1 = arith.constant 0 : i32
    return %c0_i32, %c0_i32_0 : i32, i32
  }
  func.func @transform_7(%arg0: i32) -> (i32, i32) {
    %c0_i32 = arith.constant 0 : i32
    %c0_i32_0 = arith.constant 0 : i32
    %c0_i32_1 = arith.constant 0 : i32
    return %c0_i32, %c0_i32_0 : i32, i32
  }
  func.func @transform_8(%arg0: i32) -> (i32, i32) {
    %c0_i32 = arith.constant 0 : i32
    %c0_i32_0 = arith.constant 0 : i32
    %c0_i32_1 = arith.constant 0 : i32
    return %c0_i32, %c0_i32_0 : i32, i32
  }
  func.func @transform_9(%arg0: i32) -> (i32, i32) {
    %c0_i32 = arith.constant 0 : i32
    %c0_i32_0 = arith.constant 0 : i32
    %c0_i32_1 = arith.constant 0 : i32
    return %c0_i32, %c0_i32_0 : i32, i32
  }
  func.func @transform_10(%arg0: i32) -> (i32, i32) {
    %c0_i32 = arith.constant 0 : i32
    %c0_i32_0 = arith.constant 0 : i32
    %c0_i32_1 = arith.constant 0 : i32
    return %c0_i32, %c0_i32_0 : i32, i32
  }
  func.func @transform_11(%arg0: i32) -> (i32, i32) {
    %c0_i32 = arith.constant 0 : i32
    %c0_i32_0 = arith.constant 0 : i32
    %c0_i32_1 = arith.constant 0 : i32
    return %c0_i32, %c0_i32_0 : i32, i32
  }
  func.func @transform_12(%arg0: i32) -> (i32, i32) {
    %c0_i32 = arith.constant 0 : i32
    %c0_i32_0 = arith.constant 0 : i32
    %c0_i32_1 = arith.constant 0 : i32
    return %c0_i32, %c0_i32_0 : i32, i32
  }
  func.func @transform_13(%arg0: i32) -> (i32, i32) {
    %c0_i32 = arith.constant 0 : i32
    %c0_i32_0 = arith.constant 0 : i32
    %c0_i32_1 = arith.constant 0 : i32
    return %c0_i32, %c0_i32_0 : i32, i32
  }
  func.func @transform_14(%arg0: i32) -> (i32, i32) {
    %c0_i32 = arith.constant 0 : i32
    %c0_i32_0 = arith.constant 0 : i32
    %c0_i32_1 = arith.constant 0 : i32
    return %c0_i32, %c0_i32_0 : i32, i32
  }
  func.func @transform_15(%arg0: i32) -> (i32, i32) {
    %c0_i32 = arith.constant 0 : i32
    %c0_i32_0 = arith.constant 0 : i32
    %c0_i32_1 = arith.constant 0 : i32
    return %c0_i32, %c0_i32_0 : i32, i32
  }
  func.func @transform_16(%arg0: i32) -> (i32, i32) {
    %c0_i32 = arith.constant 0 : i32
    %c0_i32_0 = arith.constant 0 : i32
    %c0_i32_1 = arith.constant 0 : i32
    return %c0_i32, %c0_i32_0 : i32, i32
  }
  func.func @transform_17(%arg0: i32) -> (i32, i32) {
    %c0_i32 = arith.constant 0 : i32
    %c0_i32_0 = arith.constant 0 : i32
    return %arg0, %c0_i32 : i32, i32
  }
}

</mosaic_0001>

<sc_bundles>
// kernel: kernel.4.cloned.1.call-start
scs
__scs_entry_jumppad:
0x0: {  	(pc) =	sbr.rel $0x88, $3  }
0x1: {  	(tag) =	ssettag $0x0;
	lr =	simm.s32 $0x1  }
0x2: {  	[smem:$0x3F8F] =	sst lr;
	_ =	strace $0xD0000000  }
0x3: {  	_ = 	snop  }
0x4: {  	_ = 	snop  }
0x5: {  	_ = 	snop  }
0x6: {  	_ = 	snop  }
0x7: {  	_ = 	snop  }
__scs_overlays_trampoline_lowered:
0x8: {  	[smem:$0x3F9E] =	sst s0  }
0x9: {  	[smem:$0x3F9F] =	sst s1  }
0xa: {  	[smem:$0x3FA0] =	sst s2  }
0xb: {  	[smem:$0x3FA1] =	sst s3  }
0xc: {  	[smem:$0x3FA2] =	sst s4  }
0xd: {  	[smem:$0x3FA3] =	sst s5  }
0xe: {  	[smem:$0x3FA4] =	sst s6  }
0xf: {  	[smem:$0x3FA5] =	sst s7  }
0x10: {  	[smem:$0x3FA6] =	sst s8  }
0x11: {  	[smem:$0x3FA7] =	sst s9;
	s0 =	simm.s32 @!p0 $0x0  }
0x12: {  	s1 =	sld [smem:$0x3F8D];
	s0 =	simm.s32 @p0 $0x1  }
0x13: {  	[smem:$0x3FA8] =	sst s0;
	s0 =	simm.s32 @!p1 $0x0  }
0x14: {  	s2 =	sld [smem:$0x3F8C];
	s0 =	simm.s32 @p1 $0x1  }
0x15: {  	[smem:$0x3FA9] =	sst s0;
	s0 =	simm.s32 @!p2 $0x0  }
0x16: {  	s3 =	sld [smem:$0x3FDB];
	s0 =	simm.s32 @p2 $0x1  }
0x17: {  	s4 =	simm.s32 $0x1BF5;
	[smem:$0x3FAB] =	sst s0  }
0x18: {  	s0 =	sld [smem:$0x3F8E];
	_ =	swait.ge [sflag:s4], $0x0  }
0x19: {  	s7 =	sld [smem:$0x3F8F]  }
0x1a: {  	s8 =	sadd.s32 $0xFFFFE003, lr  }
0x1b: {  	s9 =	sadd.s32 $0xFFFFFEF7, lr;
	s5 =	simm.s32 $0xFFFFFFFF;
	p2 =	slt.u32 s8, $0xFFFFF086  }
0x1c: {  	p1 =	slt.u32 s9, $0xF7A;
	s5 =	simm.s32 @!p2 $0x0  }
0x1d: {  	s5 =	simm.s32 @p1 $0x1;
	p0 =	seq.s32 s7, s2  }
0x1e: {  	s7 =	smul.u32 @!p0 $0xF7A, s2;
	p2 =	seq.s32 @!p0 s5, $0x0  }
0x1f: {  	s9 =	smul.u32 $0xF7A, s1;
	s8 =	simm.s32 @!p0 $0x1BF5;
	p2 =	por !p2, p0  }
0x20: {  	[sflag:s8] =	ssyncset.s32 @!p0 $0xFFFFF086;
	s6 =	sadd.s32 @!p0 s3, s7;
	s7 =	simm.s32 @!p0 $0x108  }
0x21: {  	s3 =	sadd.s32 s3, s9;
	s6 =	sadd.s32 @!p0 $0x88, s6;
	s7 =	simm.s32 @p2 $0x1082  }
0x22: {  	[simem:s7], [sflag:s8] =	dma.local @!p0 [hbm:s6], $0xF7A  }
0x23: {  	s9 =	sor.u32 $0xD0000000, s2;
	s6 =	simm.s32 $0x108;
	_ =	swait.ge @!p0 [sflag:s8], $0x0  }
0x24: {  	s3 =	sadd.s32 $0x88, s3;
	s6 =	simm.s32 @!p1 $0x1082;
	[sflag:s4] =	ssyncset.s32 $0xFFFFF086  }
0x25: {  	[simem:s6], [sflag:s4] =	dma.local [hbm:s3], $0xF7A  }
0x26: {  	[smem:$0x3F8F] =	sst s1;
	(tag) =	ssettag s2;
	_ =	strace s9  }
0x27: {  	s1 =	sld [smem:$0x3F9F]  }
0x28: {  	s2 =	sld [smem:$0x3FA0]  }
0x29: {  	s4 =	sld [smem:$0x3FA2]  }
0x2a: {  	p0 =	seq.s32 s5, $0x0;
	s5 =	sld [smem:$0x3FA3]  }
0x2b: {  	s6 =	sld [smem:$0x3FA4]  }
0x2c: {  	s7 =	sld [smem:$0x3FA5]  }
0x2d: {  	s3 =	simm.s32 $0x108;
	s8 =	sld [smem:$0x3FA6]  }
0x2e: {  	s3 =	simm.s32 @!p0 $0x1082;
	s9 =	sld [smem:$0x3FA7]  }
0x2f: {  	lr =	sadd.s32 s0, s3;
	s0 =	sld [smem:$0x3F9E]  }
0x30: {  	s3 =	sld [smem:$0x3FA1]  }
0x31: {  	[smem:$0x3FAA] =	sst s10  }
0x32: {  	s10 =	sld [smem:$0x3FA8];
	_ =	sdelay $0x3  }
0x33: {  	p0 =	seq.s32 s10, $0x1;
	s10 =	sld [smem:$0x3FAA];
	_ =	sdelay $0x3  }
0x34: {  	[smem:$0x3FAA] =	sst s10  }
0x35: {  	s10 =	sld [smem:$0x3FA9];
	_ =	sdelay $0x3  }
0x36: {  	p1 =	seq.s32 s10, $0x1;
	s10 =	sld [smem:$0x3FAA];
	_ =	sdelay $0x3  }
0x37: {  	[smem:$0x3FAA] =	sst s10  }
0x38: {  	s10 =	sld [smem:$0x3FAB]  }
0x39: {  	_ = 	snop;
	(pc) =	sbr.ind lr, $3  }
0x3a: {  	_ = 	snop  }
0x3b: {  	_ = 	snop  }
0x3c: {  	p2 =	seq.s32 s10, $0x1;
	s10 =	sld [smem:$0x3FAA]  }
0x3d: {  	_ =	shalt  }
0x3e: {  	_ =	shalt  }
0x3f: {  	_ =	shalt  }
0x40: {  	_ =	shalt  }
0x41: {  	_ =	shalt  }
0x42: {  	_ =	shalt  }
0x43: {  	_ =	shalt  }
0x44: {  	_ =	shalt  }
0x45: {  	_ =	shalt  }
0x46: {  	_ =	shalt  }
0x47: {  	_ =	shalt  }
0x48: {  	_ =	shalt  }
0x49: {  	_ =	shalt  }
0x4a: {  	_ =	shalt  }
0x4b: {  	_ =	shalt  }
0x4c: {  	_ =	shalt  }
0x4d: {  	_ =	shalt  }
0x4e: {  	_ =	shalt  }
0x4f: {  	_ =	shalt  }
0x50: {  	_ =	shalt  }
0x51: {  	_ =	shalt  }
0x52: {  	_ =	shalt  }
0x53: {  	_ =	shalt  }
0x54: {  	_ =	shalt  }
0x55: {  	_ =	shalt  }
0x56: {  	_ =	shalt  }
0x57: {  	_ =	shalt  }
0x58: {  	_ =	shalt  }
0x59: {  	_ =	shalt  }
0x5a: {  	_ =	shalt  }
0x5b: {  	_ =	shalt  }
0x5c: {  	_ =	shalt  }
0x5d: {  	_ =	shalt  }
0x5e: {  	_ =	shalt  }
0x5f: {  	_ =	shalt  }
0x60: {  	_ =	shalt  }
0x61: {  	_ =	shalt  }
0x62: {  	_ =	shalt  }
0x63: {  	_ =	shalt  }
0x64: {  	_ =	shalt  }
0x65: {  	_ =	shalt  }
0x66: {  	_ =	shalt  }
0x67: {  	_ =	shalt  }
0x68: {  	_ =	shalt  }
0x69: {  	_ =	shalt  }
0x6a: {  	_ =	shalt  }
0x6b: {  	_ =	shalt  }
0x6c: {  	_ =	shalt  }
0x6d: {  	_ =	shalt  }
0x6e: {  	_ =	shalt  }
0x6f: {  	_ =	shalt  }
0x70: {  	_ =	shalt  }
0x71: {  	_ =	shalt  }
0x72: {  	_ =	shalt  }
0x73: {  	_ =	shalt  }
0x74: {  	_ =	shalt  }
0x75: {  	_ =	shalt  }
0x76: {  	_ =	shalt  }
0x77: {  	_ =	shalt  }
0x78: {  	_ =	shalt  }
0x79: {  	_ =	shalt  }
0x7a: {  	_ =	shalt  }
0x7b: {  	_ =	shalt  }
0x7c: {  	_ =	shalt  }
0x7d: {  	_ =	shalt  }
0x7e: {  	_ =	shalt  }
0x7f: {  	_ =	shalt  }
0x80: {  	_ =	shalt  }
0x81: {  	_ =	shalt  }
0x82: {  	_ =	shalt  }
0x83: {  	_ =	shalt  }
0x84: {  	_ =	shalt  }
0x85: {  	_ =	shalt  }
0x86: {  	_ =	shalt  }
0x87: {  	_ =	shalt  }
.Lfunc_end0:
.L_simem_size_0:
called_computation.1_lowered:
.L_overlay_start_0:
0x88: {  	s2 =	sld [smem:$0x3FD9]  }
0x89: {  	s3 =	sld [smem:$0x3FFE];
	_ =	sdelay $0x1  }
0x8a: {  	s1 =	srdreg.scid  }
0x8b: {  	s0 =	sand.u32 $0x1, s1  }
0x8c: {  	s17 =	sshll.u32 s0, $0xA;
	s2 =	sadd.s32 s3, s2  }
0x8d: {  	s2 =	sadd.s32 s2, s17  }
0x8e: {  	[smem:$0x3FB6] =	sst s2  }
0x8f: {  	_ = 	snop  }
0x90: {  	s2 =	sld [smem:$0x3FD0];
	(tm) =	ssettm $0x1  }
0x91: {  	s18 =	sld [smem:$0x3FFB];
	_ =	sdelay $0x3  }
0x92: {  	_ =	strace s18  }
0x93: {  	s3 =	sld [smem:$0x3FFC];
	_ =	sdelay $0x3  }
0x94: {  	_ =	strace s3  }
0x95: {  	s3 =	sld [smem:$0x3FFD];
	_ =	sdelay $0x3  }
0x96: {  	_ =	strace s3  }
0x97: {  	_ =	strace $0x8FFFFFFF  }
0x98: {  	s19 =	sld [smem:$0x3FDB];
	_ =	sdelay $0x1  }
0x99: {  	s4 =	simm.s32 $_scs_section_size  }
0x9a: {  	s5 =	simm.s32 $_size__tile_overlayer_lowered;
	s6 =	simm.s32 $_tile_overlayer_lowered  }
0x9b: {  	s22 =	simm.s32 $0x1BFF;
	s21 =	sshll.u32 s6, $0x1;
	s3 =	sadd.s32 s4, s19  }
0x9c: {  	s7 =	simm.s32 $0x0;
	s20 =	sshll.u32 s5, $0x1;
	s5 =	sadd.s32 s21, s3  }
0x9d: {  	[timem:s7], [sflag:s22] =	dma.local [hbm:s5], s20  }
0x9e: {  	_ =	swait.ge [sflag:s22], s20  }
0x9f: {  	s4 =	ssub.s32 $0x0, s20;
	[sflag:s22] =	ssyncset.done $0x0  }
0xa0: {  	[sflag:s22] =	ssyncadd.s32 s4;
	_ =	sdelay $0x1  }
0xa1: {  	s23 =	simm.s32 $0x1B8B  }
0xa2: {  	_ =	swait.ge [sflag:s23], $0x1  }
0xa3: {  	[sflag:s23] =	ssyncset.done $0x0  }
0xa4: {  	s25 =	simm.s32 $0x1B8E;
	s24 =	sld [smem:$0x3FFE];
	[sflag:s23] =	ssyncadd.s32 $0xFFFFFFFF  }
0xa5: {  	s26 =	simm.s32 $execute0_lowered;
	[smem:$0x3FD2] =	sst s25  }
0xa6: {  	s5 =	sshll.u32 s26, $0x1;
	_ =	strace $0x80000049;
	[dreg:$0x1] =	wrdreg $0xFFFFFFFF  }
0xa7: {  	s28 =	simm.s32 $_size_execute0_lowered;
	s3 =	sadd.s32 s3, s5;
	[dreg:$0x0] =	wrdreg $0x0  }
0xa8: {  	s5 =	sshll.u32 s28, $0x1;
	[dreg:$0x2] =	wrdreg s3  }
0xa9: {  	[dreg:$0x3] =	wrdreg s5  }
0xaa: {  	[dreg:$0x4] =	wrdreg $0xC0  }
0xab: {  	_ =	task [dreg:s7], $0x5FFFF  }
0xac: {  	[dreg:$0x1] =	wrdreg $0xFFFFFFFF  }
0xad: {  	[dreg:$0x0] =	wrdreg $0x60  }
0xae: {  	[dreg:$0x2] =	wrdreg s24  }
0xaf: {  	[dreg:$0x3] =	wrdreg s2  }
0xb0: {  	[dreg:$0x4] =	wrdreg $0x9  }
0xb1: {  	_ =	task.clear_ibuf [dreg:s7], $0x5FFFF;
	_ =	strace $0x90000049  }
0xb2: {  	s29 =	simm.s32 $0x9;
	_ =	strace $0x8000004B  }
0xb3: {  	_ =	swait.ge [sflag:s29], $0x1  }
0xb4: {  	[sflag:s29] =	ssyncadd.s32 $0xFFFFFFFF  }
0xb5: {  	_ =	strace $0x9000004B  }
0xb6: {  	_ =	sfence  }
0xb7: {  	s30 =	sld [smem:$0x0];
	_ =	sdelay $0x2  }
0xb8: {  	s31 =	sshll.u32 s1, $0xD;
	s1 =	sshrl.u32 s1, $0x2  }
0xb9: {  	s3 =	sand.u32 $0x4000, s31;
	s1 =	sadd.s32 s1, s30  }
0xba: {  	s0 =	sor.u32 s3, s0;
	s1 =	sshll.u32 s1, $0x11  }
0xbb: {  	s0 =	sor.u32 s1, s0  }
0xbc: {  	s0 =	sadd.s32 $0x8F2B, s0  }
0xbd: {  	[sflag:s0] =	ssyncadd.remote.s32 $0x1  }
0xbe: {  	_ =	sfence.sel $0xFFFF  }
0xbf: {  	[dreg:$0x0] =	wrdreg $0xFFFFFFFF;
	(pc) =	sbr.abs _section_cstart, $3  }
0xc0: {  	[dreg:$0x1] =	wrdreg $0xFFFFFFFF  }
0xc1: {  	_ =	task.clear_ibuf [dreg:s7], $0x2FFFF;
	_ =	strace $0x9FFFFFFF  }
0xc2: {  	(tm) =	ssettm $0x7FFFFFFF  }
0xc3: {  	_ =	shalt  }
tec
execute0_lowered:
.L_overlay_start_1:
0x0: {  	(tag) =	ssettag $0x1  }
0x1: {  	s1 =	srdreg.scid  }
0x2: {  	s26 =	rddreg [dreg:$0x0];
	s0 =	stileid.u32;
	s28 =	sand.u32 $0x1, s1  }
0x3: {  	s17 =	rddreg [dreg:$0x1];
	s3 =	sshll.u32 s0, $0xA;
	s4 =	sshll.u32 s28, $0x9  }
0x4: {  	s2 =	simm.s32 $0x0;
	s1 =	rddreg [dreg:$0x2];
	s25 =	sor.u32 s4, s3  }
0x5: {  	[smem:$0x7FF] =	sst s2;
	s15 =	sadd.s32 $0xF45A00, s26;
	s16 =	sshrl.u32 s25, $0x3  }
0x6: {  	_ =	strace $0x8000004A;
	s3 =	simm.s32 $0x2;
	s4 =	sadd.s32 s15, s16  }
0x7: {  	[tilespmem:s2], [sflag:$0x2] =	stream.linear.gather [hbm4b:s4+s2], $0x80, $0x38;
	[tilespmem:$0x10400] =	vst v63  }
0x8: {  	_ =	swait.ge [sflag:s3], $0x80  }
0x9: {  	[sflag:s3] =	ssyncset.done $0x0  }
0xa: {  	s6 =	simm.s32 $0x200;
	s5 =	sadd.s32 s17, s16;
	[sflag:s3] =	ssyncadd.s32 $0xFFFFFF80  }
0xb: {  	[tilespmem:s6], [sflag:$0x2] =	stream.linear.gather [hbm4b:s5+s2], $0x80, $0x38;
	[tilespmem:$0x10400] =	vst v63  }
0xc: {  	_ =	swait.ge [sflag:s3], $0x80  }
0xd: {  	s9 =	sor.u32 $0x10, s16;
	[sflag:s3] =	ssyncset.done $0x0  }
0xe: {  	s8 =	simm.s32 $0x80;
	s7 =	sadd.s32 s15, s9;
	[sflag:s3] =	ssyncadd.s32 $0xFFFFFF80  }
0xf: {  	[tilespmem:s8], [sflag:$0x2] =	stream.linear.gather [hbm4b:s7+s2], $0x80, $0x38;
	[tilespmem:$0x10400] =	vst v63  }
0x10: {  	_ =	swait.ge [sflag:s3], $0x80  }
0x11: {  	[sflag:s3] =	ssyncset.done $0x0  }
0x12: {  	s10 =	simm.s32 $0x280;
	s9 =	sadd.s32 s17, s9;
	[sflag:s3] =	ssyncadd.s32 $0xFFFFFF80  }
0x13: {  	[tilespmem:s10], [sflag:$0x2] =	stream.linear.gather [hbm4b:s9+s2], $0x80, $0x38;
	[tilespmem:$0x10400] =	vst v63  }
0x14: {  	_ =	swait.ge [sflag:s3], $0x80  }
0x15: {  	s13 =	sor.u32 $0x20, s16;
	[sflag:s3] =	ssyncset.done $0x0  }
0x16: {  	s12 =	simm.s32 $0x100;
	s11 =	sadd.s32 s15, s13;
	[sflag:s3] =	ssyncadd.s32 $0xFFFFFF80  }
0x17: {  	[tilespmem:s12], [sflag:$0x2] =	stream.linear.gather [hbm4b:s11+s2], $0x80, $0x38;
	[tilespmem:$0x10400] =	vst v63  }
0x18: {  	_ =	swait.ge [sflag:s3], $0x80  }
0x19: {  	[sflag:s3] =	ssyncset.done $0x0  }
0x1a: {  	s14 =	simm.s32 $0x300;
	s13 =	sadd.s32 s17, s13;
	[sflag:s3] =	ssyncadd.s32 $0xFFFFFF80  }
0x1b: {  	[tilespmem:s14], [sflag:$0x2] =	stream.linear.gather [hbm4b:s13+s2], $0x80, $0x38;
	[tilespmem:$0x10400] =	vst v63  }
0x1c: {  	_ =	swait.ge [sflag:s3], $0x80  }
0x1d: {  	s18 =	sor.u32 $0x30, s16;
	[sflag:s3] =	ssyncset.done $0x0  }
0x1e: {  	s16 =	simm.s32 $0x180;
	s15 =	sadd.s32 s15, s18;
	[sflag:s3] =	ssyncadd.s32 $0xFFFFFF80  }
0x1f: {  	[tilespmem:s16], [sflag:$0x2] =	stream.linear.gather [hbm4b:s15+s2], $0x80, $0x38;
	[tilespmem:$0x10400] =	vst v63  }
0x20: {  	_ =	swait.ge [sflag:s3], $0x80  }
0x21: {  	[sflag:s3] =	ssyncset.done $0x0  }
0x22: {  	s17 =	sadd.s32 s17, s18;
	s18 =	simm.s32 $0x380;
	[sflag:s3] =	ssyncadd.s32 $0xFFFFFF80  }
0x23: {  	[tilespmem:s18], [sflag:$0x2] =	stream.linear.gather [hbm4b:s17+s2], $0x80, $0x38;
	[tilespmem:$0x10400] =	vst v63  }
0x24: {  	_ =	swait.ge [sflag:s3], $0x80  }
0x25: {  	[sflag:s3] =	ssyncset.done $0x0  }
0x26: {  	s20 =	simm.s32 $0x400;
	s19 =	sadd.s32 $0x118FA00, s26;
	[sflag:s3] =	ssyncadd.s32 $0xFFFFFF80  }
0x27: {  	[tilespmem:s20], [sflag:$0x1] =	stream.indirect.gather [hbm4b:s19+s8], $0x80, s2, s8, $0xb8;
	[tilespmem:$0x10400] =	vst v63  }
0x28: {  	s21 =	simm.s32 $0x4400  }
0x29: {  	[tilespmem:s21], [sflag:$0x1] =	stream.indirect.gather [hbm4b:s19+s8], $0x80, s8, s8, $0xb8;
	[tilespmem:$0x10400] =	vst v63  }
0x2a: {  	s22 =	simm.s32 $0x8400  }
0x2b: {  	[tilespmem:s22], [sflag:$0x1] =	stream.indirect.gather [hbm4b:s19+s8], $0x80, s12, s8, $0xb8;
	[tilespmem:$0x10400] =	vst v63  }
0x2c: {  	s23 =	simm.s32 $0xC400;
	s24 =	simm.s32 $0x1  }
0x2d: {  	[tilespmem:s23], [sflag:$0x1] =	stream.indirect.gather [hbm4b:s19+s8], $0x80, s16, s8, $0xb8;
	[tilespmem:$0x10400] =	vst v63  }
0x2e: {  	_ =	swait.ge [sflag:s24], $0x4000  }
0x2f: {  	[sflag:s24] =	ssyncset.done $0x0  }
0x30: {  	[sflag:s24] =	ssyncadd.s32 $0xFFFFC000  }
0x31: {  	_ =	swait.ge [sflag:s24], $0x4000  }
0x32: {  	[sflag:s24] =	ssyncset.done $0x0  }
0x33: {  	[sflag:s24] =	ssyncadd.s32 $0xFFFFC000  }
0x34: {  	_ =	swait.ge [sflag:s24], $0x4000  }
0x35: {  	[sflag:s24] =	ssyncset.done $0x0  }
0x36: {  	[sflag:s24] =	ssyncadd.s32 $0xFFFFC000  }
0x37: {  	s25 =	sshll.u32 s25, $0x4;
	_ =	swait.ge [sflag:s24], $0x4000  }
0x38: {  	s29 =	sadd.s32 s25, s26;
	[sflag:s24] =	ssyncset.done $0x0  }
0x39: {  	s25 =	sadd.s32 $0xF46200, s29;
	[sflag:s24] =	ssyncadd.s32 $0xFFFFC000  }
0x3a: {  	[hbm4b:s25+s2] =	stream.linear.scatter [tilespmem:s20], [sflag:$0x2], $0x10000, $0x38;
	[tilespmem:$0x10400] =	vst v63  }
0x3b: {  	_ =	swait.ge [sflag:s3], $0x10000  }
0x3c: {  	[sflag:s3] =	ssyncset.done $0x0  }
0x3d: {  	s26 =	sadd.s32 $0x10CC400, s26;
	[sflag:s3] =	ssyncadd.s32 $0xFFFF0000  }
0x3e: {  	[tilespmem:s20], [sflag:$0x1] =	stream.indirect.gather [hbm4b:s26+s8], $0x80, s6, s8, $0xb8;
	[tilespmem:$0x10400] =	vst v63  }
0x3f: {  	_ = 	snop  }
0x40: {  	[tilespmem:s21], [sflag:$0x1] =	stream.indirect.gather [hbm4b:s26+s8], $0x80, s10, s8, $0xb8;
	[tilespmem:$0x10400] =	vst v63  }
0x41: {  	_ = 	snop  }
0x42: {  	[tilespmem:s22], [sflag:$0x1] =	stream.indirect.gather [hbm4b:s26+s8], $0x80, s14, s8, $0xb8;
	[tilespmem:$0x10400] =	vst v63  }
0x43: {  	_ = 	snop  }
0x44: {  	[tilespmem:s23], [sflag:$0x1] =	stream.indirect.gather [hbm4b:s26+s8], $0x80, s18, s8, $0xb8;
	[tilespmem:$0x10400] =	vst v63  }
0x45: {  	_ =	swait.ge [sflag:s24], $0x4000  }
0x46: {  	[sflag:s24] =	ssyncset.done $0x0  }
0x47: {  	[sflag:s24] =	ssyncadd.s32 $0xFFFFC000  }
0x48: {  	_ =	swait.ge [sflag:s24], $0x4000  }
0x49: {  	[sflag:s24] =	ssyncset.done $0x0  }
0x4a: {  	s28 =	ssub.s32 $0x2, s28;
	[sflag:s24] =	ssyncadd.s32 $0xFFFFC000  }
0x4b: {  	s30 =	sshrl.u32 s28, $0x1;
	_ =	swait.ge [sflag:s24], $0x4000  }
0x4c: {  	s30 =	ssub.s32 s28, s30;
	[sflag:s24] =	ssyncset.done $0x0  }
0x4d: {  	s28 =	sadd.s32 $0xF86200, s29;
	s29 =	smax.u32 s30, $0x1;
	[sflag:s24] =	ssyncadd.s32 $0xFFFFC000  }
0x4e: {  	p0 =	sne.s32 s29, $0x1;
	_ =	swait.ge [sflag:s24], $0x4000  }
.Ltmp0:
0x4f: {  	[sflag:s24] =	ssyncset.done $0x0;
	(pc) =	sbr.rel @!p0 .LBB2_2-.Ltmp0, $4  }
0x50: {  	[sflag:s24] =	ssyncadd.s32 $0xFFFFC000  }
0x51: {  	[hbm4b:s28+s2] =	stream.linear.scatter [tilespmem:s20], [sflag:$0x2], $0x10000, $0x38;
	[tilespmem:$0x10400] =	vst v63  }
0x52: {  	_ =	swait.ge [sflag:s3], $0x10000  }
0x53: {  	s29 =	sadd.s32 $0xFFFFFFFF, s29;
	[sflag:s3] =	ssyncset.done $0x0  }
.LBB2_1:
0x54: {  	p0 =	sne.s32 s29, $0x1;
	s29 =	sadd.s32 $0xFFFFFFFF, s29;
	[sflag:s3] =	ssyncadd.s32 $0xFFFF0000  }
0x55: {  	[tilespmem:s2], [sflag:$0x2] =	stream.linear.gather [hbm4b:s4+s2], $0x80, $0x38;
	[tilespmem:$0x10400] =	vst v63  }
0x56: {  	_ =	swait.ge [sflag:s3], $0x80  }
0x57: {  	[sflag:s3] =	ssyncset.done $0x0  }
0x58: {  	[sflag:s3] =	ssyncadd.s32 $0xFFFFFF80  }
0x59: {  	[tilespmem:s6], [sflag:$0x2] =	stream.linear.gather [hbm4b:s5+s2], $0x80, $0x38;
	[tilespmem:$0x10400] =	vst v63  }
0x5a: {  	_ =	swait.ge [sflag:s3], $0x80  }
0x5b: {  	[sflag:s3] =	ssyncset.done $0x0  }
0x5c: {  	[sflag:s3] =	ssyncadd.s32 $0xFFFFFF80  }
0x5d: {  	[tilespmem:s8], [sflag:$0x2] =	stream.linear.gather [hbm4b:s7+s2], $0x80, $0x38;
	[tilespmem:$0x10400] =	vst v63  }
0x5e: {  	_ =	swait.ge [sflag:s3], $0x80  }
0x5f: {  	[sflag:s3] =	ssyncset.done $0x0  }
0x60: {  	[sflag:s3] =	ssyncadd.s32 $0xFFFFFF80  }
0x61: {  	[tilespmem:s10], [sflag:$0x2] =	stream.linear.gather [hbm4b:s9+s2], $0x80, $0x38;
	[tilespmem:$0x10400] =	vst v63  }
0x62: {  	_ =	swait.ge [sflag:s3], $0x80  }
0x63: {  	[sflag:s3] =	ssyncset.done $0x0  }
0x64: {  	[sflag:s3] =	ssyncadd.s32 $0xFFFFFF80  }
0x65: {  	[tilespmem:s12], [sflag:$0x2] =	stream.linear.gather [hbm4b:s11+s2], $0x80, $0x38;
	[tilespmem:$0x10400] =	vst v63  }
0x66: {  	_ =	swait.ge [sflag:s3], $0x80  }
0x67: {  	[sflag:s3] =	ssyncset.done $0x0  }
0x68: {  	[sflag:s3] =	ssyncadd.s32 $0xFFFFFF80  }
0x69: {  	[tilespmem:s14], [sflag:$0x2] =	stream.linear.gather [hbm4b:s13+s2], $0x80, $0x38;
	[tilespmem:$0x10400] =	vst v63  }
0x6a: {  	_ =	swait.ge [sflag:s3], $0x80  }
0x6b: {  	[sflag:s3] =	ssyncset.done $0x0  }
0x6c: {  	[sflag:s3] =	ssyncadd.s32 $0xFFFFFF80  }
0x6d: {  	[tilespmem:s16], [sflag:$0x2] =	stream.linear.gather [hbm4b:s15+s2], $0x80, $0x38;
	[tilespmem:$0x10400] =	vst v63  }
0x6e: {  	_ =	swait.ge [sflag:s3], $0x80  }
0x6f: {  	[sflag:s3] =	ssyncset.done $0x0  }
0x70: {  	[sflag:s3] =	ssyncadd.s32 $0xFFFFFF80  }
0x71: {  	[tilespmem:s18], [sflag:$0x2] =	stream.linear.gather [hbm4b:s17+s2], $0x80, $0x38;
	[tilespmem:$0x10400] =	vst v63  }
0x72: {  	_ =	swait.ge [sflag:s3], $0x80  }
0x73: {  	[sflag:s3] =	ssyncset.done $0x0  }
0x74: {  	[sflag:s3] =	ssyncadd.s32 $0xFFFFFF80  }
0x75: {  	[tilespmem:s20], [sflag:$0x1] =	stream.indirect.gather [hbm4b:s19+s8], $0x80, s2, s8, $0xb8;
	[tilespmem:$0x10400] =	vst v63  }
0x76: {  	_ = 	snop  }
0x77: {  	[tilespmem:s21], [sflag:$0x1] =	stream.indirect.gather [hbm4b:s19+s8], $0x80, s8, s8, $0xb8;
	[tilespmem:$0x10400] =	vst v63  }
0x78: {  	_ = 	snop  }
0x79: {  	[tilespmem:s22], [sflag:$0x1] =	stream.indirect.gather [hbm4b:s19+s8], $0x80, s12, s8, $0xb8;
	[tilespmem:$0x10400] =	vst v63  }
0x7a: {  	_ = 	snop  }
0x7b: {  	[tilespmem:s23], [sflag:$0x1] =	stream.indirect.gather [hbm4b:s19+s8], $0x80, s16, s8, $0xb8;
	[tilespmem:$0x10400] =	vst v63  }
0x7c: {  	_ =	swait.ge [sflag:s24], $0x4000  }
0x7d: {  	[sflag:s24] =	ssyncset.done $0x0  }
0x7e: {  	[sflag:s24] =	ssyncadd.s32 $0xFFFFC000  }
0x7f: {  	_ =	swait.ge [sflag:s24], $0x4000  }
0x80: {  	[sflag:s24] =	ssyncset.done $0x0  }
0x81: {  	[sflag:s24] =	ssyncadd.s32 $0xFFFFC000  }
0x82: {  	_ =	swait.ge [sflag:s24], $0x4000  }
0x83: {  	[sflag:s24] =	ssyncset.done $0x0  }
0x84: {  	[sflag:s24] =	ssyncadd.s32 $0xFFFFC000  }
0x85: {  	_ =	swait.ge [sflag:s24], $0x4000  }
0x86: {  	[sflag:s24] =	ssyncset.done $0x0  }
0x87: {  	[sflag:s24] =	ssyncadd.s32 $0xFFFFC000  }
0x88: {  	[hbm4b:s25+s2] =	stream.linear.scatter [tilespmem:s20], [sflag:$0x2], $0x10000, $0x38;
	[tilespmem:$0x10400] =	vst v63  }
0x89: {  	_ =	swait.ge [sflag:s3], $0x10000  }
0x8a: {  	[sflag:s3] =	ssyncset.done $0x0  }
0x8b: {  	[sflag:s3] =	ssyncadd.s32 $0xFFFF0000  }
0x8c: {  	[tilespmem:s20], [sflag:$0x1] =	stream.indirect.gather [hbm4b:s26+s8], $0x80, s6, s8, $0xb8;
	[tilespmem:$0x10400] =	vst v63  }
0x8d: {  	_ = 	snop  }
0x8e: {  	[tilespmem:s21], [sflag:$0x1] =	stream.indirect.gather [hbm4b:s26+s8], $0x80, s10, s8, $0xb8;
	[tilespmem:$0x10400] =	vst v63  }
0x8f: {  	_ = 	snop  }
0x90: {  	[tilespmem:s22], [sflag:$0x1] =	stream.indirect.gather [hbm4b:s26+s8], $0x80, s14, s8, $0xb8;
	[tilespmem:$0x10400] =	vst v63  }
0x91: {  	_ = 	snop  }
0x92: {  	[tilespmem:s23], [sflag:$0x1] =	stream.indirect.gather [hbm4b:s26+s8], $0x80, s18, s8, $0xb8;
	[tilespmem:$0x10400] =	vst v63  }
0x93: {  	_ =	swait.ge [sflag:s24], $0x4000  }
0x94: {  	[sflag:s24] =	ssyncset.done $0x0  }
0x95: {  	[sflag:s24] =	ssyncadd.s32 $0xFFFFC000  }
0x96: {  	_ =	swait.ge [sflag:s24], $0x4000  }
0x97: {  	[sflag:s24] =	ssyncset.done $0x0  }
0x98: {  	[sflag:s24] =	ssyncadd.s32 $0xFFFFC000  }
0x99: {  	_ =	swait.ge [sflag:s24], $0x4000  }
0x9a: {  	[sflag:s24] =	ssyncset.done $0x0  }
0x9b: {  	[sflag:s24] =	ssyncadd.s32 $0xFFFFC000  }
0x9c: {  	_ =	swait.ge [sflag:s24], $0x4000  }
.Ltmp1:
0x9d: {  	[sflag:s24] =	ssyncset.done $0x0;
	(pc) =	sbr.rel @p0 .LBB2_1-.Ltmp1, $4  }
0x9e: {  	[sflag:s24] =	ssyncadd.s32 $0xFFFFC000  }
0x9f: {  	[hbm4b:s28+s2] =	stream.linear.scatter [tilespmem:s20], [sflag:$0x2], $0x10000, $0x38;
	[tilespmem:$0x10400] =	vst v63  }
0xa0: {  	_ =	swait.ge [sflag:s3], $0x10000  }
0xa1: {  	[sflag:s3] =	ssyncset.done $0x0  }
.LBB2_2:
0xa2: {  	[sflag:s3] =	ssyncadd.s32 $0xFFFF0000  }
0xa3: {  	_ =	sfence.sel $0x180000  }
0xa4: {  	[bflag:$0x0] =	sbarrier.arrive $0xFFFF  }
0xa5: {  	p0 =	sne.s32 s0, $0x0;
	_ =	strace $0x9000004A  }
0xa6: {  	s0 =	sadd.s32 @!p0 $0x100000, s1;
	[bflag:$0x2] =	sbarrier.arrive $0xFFFF  }
0xa7: {  	[sflag:s0] =	ssyncadd.tile.s32 @!p0 $0x1;
	_ =	shalt  }
.Lfunc_end2:
_tile_overlayer_lowered:
.L_overlay_start_2:
0xa8: {  	(tag) =	ssettag $0x2  }
0xa9: {  	s0 =	rddreg [dreg:$0x0];
	s2 =	stileid.u32  }
0xaa: {  	s1 =	rddreg [dreg:$0x1];
	p0 =	sne.s32 s2, $0x0  }
0xab: {  	s3 =	rddreg [dreg:$0x2];
	[bflag:$0x3] =	sbarrier.arrive $0xFFFF;
	s2 =	simm.s32 @!p0 $0x1C02  }
0xac: {  	[timem:s3], [sflag:s2] =	dma.local @!p0 [hbm:s0], s1  }
0xad: {  	s0 =	simm.s32 @!p0 $0x2  }
0xae: {  	_ =	swait.ge @!p0 [sflag:s0], s1  }
0xaf: {  	s1 =	ssub.s32 @!p0 $0x0, s1;
	[sflag:s0] =	ssyncset.done @!p0 $0x0  }
0xb0: {  	[sflag:s0] =	ssyncadd.s32 @!p0 s1  }
0xb1: {  	[bflag:$0x3] =	sbarrier.arrive $0xFFFF  }
0xb2: {  	_ =	shalt  }

// kernel: sparse-core-data-format-call.cloned.1.call-start
scs
called_computation_lowered:
.L_overlay_start_0:
0x0: {  	s2 =	sld [smem:$0x3FD9]  }
0x1: {  	s3 =	sld [smem:$0x3FFE];
	_ =	sdelay $0x1  }
0x2: {  	s1 =	srdreg.scid  }
0x3: {  	s0 =	sand.u32 $0x1, s1  }
0x4: {  	s18 =	sshll.u32 s0, $0xA;
	s2 =	sadd.s32 s3, s2  }
0x5: {  	s2 =	sadd.s32 s2, s18  }
0x6: {  	[smem:$0x3FB6] =	sst s2  }
0x7: {  	_ = 	snop  }
0x8: {  	s2 =	sld [smem:$0x3FC7];
	(tm) =	ssettm $0x1  }
0x9: {  	s19 =	sld [smem:$0x3FFB];
	_ =	sdelay $0x3  }
0xa: {  	_ =	strace s19  }
0xb: {  	s3 =	sld [smem:$0x3FFC];
	_ =	sdelay $0x3  }
0xc: {  	_ =	strace s3  }
0xd: {  	s3 =	sld [smem:$0x3FFD];
	_ =	sdelay $0x3  }
0xe: {  	_ =	strace s3  }
0xf: {  	_ =	strace $0x8FFFFFFF  }
0x10: {  	s20 =	sld [smem:$0x3FDB];
	_ =	sdelay $0x1  }
0x11: {  	s4 =	simm.s32 $_scs_section_size  }
0x12: {  	s5 =	simm.s32 $_size__tile_overlayer_lowered;
	s6 =	simm.s32 $_tile_overlayer_lowered  }
0x13: {  	s23 =	simm.s32 $0x1BFF;
	s22 =	sshll.u32 s6, $0x1;
	s3 =	sadd.s32 s4, s20  }
0x14: {  	s7 =	simm.s32 $0x0;
	s21 =	sshll.u32 s5, $0x1;
	s5 =	sadd.s32 s22, s3  }
0x15: {  	[timem:s7], [sflag:s23] =	dma.local [hbm:s5], s21  }
0x16: {  	_ =	swait.ge [sflag:s23], s21  }
0x17: {  	s4 =	ssub.s32 $0x0, s21;
	[sflag:s23] =	ssyncset.done $0x0  }
0x18: {  	[sflag:s23] =	ssyncadd.s32 s4;
	_ =	sdelay $0x1  }
0x19: {  	s24 =	simm.s32 $0x1B8B  }
0x1a: {  	_ =	swait.ge [sflag:s24], $0x1  }
0x1b: {  	[sflag:s24] =	ssyncset.done $0x0  }
0x1c: {  	s26 =	simm.s32 $0x1B8E;
	s25 =	sld [smem:$0x3FFE];
	[sflag:s24] =	ssyncadd.s32 $0xFFFFFFFF  }
0x1d: {  	s27 =	simm.s32 $execute0_lowered;
	[smem:$0x3FD2] =	sst s26  }
0x1e: {  	s5 =	sshll.u32 s27, $0x1;
	_ =	strace $0x80000046;
	[dreg:$0x1] =	wrdreg $0xFFFFFFFF  }
0x1f: {  	s28 =	simm.s32 $_size_execute0_lowered;
	s3 =	sadd.s32 s3, s5;
	[dreg:$0x0] =	wrdreg $0x0  }
0x20: {  	s5 =	sshll.u32 s28, $0x1;
	[dreg:$0x2] =	wrdreg s3  }
0x21: {  	[dreg:$0x3] =	wrdreg s5  }
0x22: {  	[dreg:$0x4] =	wrdreg $0xC0  }
0x23: {  	_ =	task [dreg:s7], $0x5FFFF  }
0x24: {  	[dreg:$0x1] =	wrdreg $0xFFFFFFFF  }
0x25: {  	[dreg:$0x0] =	wrdreg $0x60  }
0x26: {  	[dreg:$0x2] =	wrdreg s2  }
0x27: {  	[dreg:$0x3] =	wrdreg s25  }
0x28: {  	[dreg:$0x4] =	wrdreg $0x9  }
0x29: {  	_ =	task.clear_ibuf [dreg:s7], $0x5FFFF;
	_ =	strace $0x90000046  }
0x2a: {  	s29 =	simm.s32 $0x9;
	_ =	strace $0x80000048  }
0x2b: {  	_ =	swait.ge [sflag:s29], $0x1  }
0x2c: {  	[sflag:s29] =	ssyncadd.s32 $0xFFFFFFFF  }
0x2d: {  	_ =	strace $0x90000048  }
0x2e: {  	_ =	sfence  }
0x2f: {  	s30 =	sld [smem:$0x0];
	_ =	sdelay $0x2  }
0x30: {  	s31 =	sshll.u32 s1, $0xD;
	s1 =	sshrl.u32 s1, $0x2  }
0x31: {  	s3 =	sand.u32 $0x4000, s31;
	s1 =	sadd.s32 s1, s30  }
0x32: {  	s0 =	sor.u32 s3, s0;
	s1 =	sshll.u32 s1, $0x11  }
0x33: {  	s0 =	sor.u32 s1, s0  }
0x34: {  	s0 =	sadd.s32 $0x8F2B, s0  }
0x35: {  	[sflag:s0] =	ssyncadd.remote.s32 $0x1  }
0x36: {  	_ =	sfence.sel $0xFFFF  }
0x37: {  	[dreg:$0x0] =	wrdreg $0xFFFFFFFF;
	(pc) =	sbr.abs _section_cstart, $3  }
0x38: {  	[dreg:$0x1] =	wrdreg $0xFFFFFFFF  }
0x39: {  	_ =	task.clear_ibuf [dreg:s7], $0x2FFFF;
	_ =	strace $0x9FFFFFFF  }
0x3a: {  	(tm) =	ssettm $0x7FFFFFFF  }
0x3b: {  	_ =	shalt  }
tec
execute0_lowered:
.L_overlay_start_1:
0x0: {  	(tag) =	ssettag $0x1  }
0x1: {  	s0 =	srdreg.scid;
	s2 =	rddreg [dreg:$0x0]  }
0x2: {  	s5 =	rddreg [dreg:$0x1];
	s1 =	stileid.u32  }
0x3: {  	s4 =	simm.s32 $0x1;
	s6 =	simm.s32 $0x2;
	s15 =	simm.s32 $0x0  }
0x4: {  	p0 =	por $0x0, $0x0;
	s8 =	simm.s32 $0x80;
	s0 =	sshll.u32 s0, $0x4  }
0x5: {  	s14 =	simm.s32 $0x0;
	s9 =	simm.s32 $0x0;
	s3 =	sand.u32 $0x10, s0  }
.Ltmp0:
0x6: {  	s10 =	simm.s32 $0x0;
	s3 =	sor.u32 s1, s3;
	(pc) =	sbr.rel .LBB1_1-.Ltmp0, $4  }
0x7: {  	s0 =	rddreg [dreg:$0x2];
	_ =	strace $0x80000047;
	s3 =	sshll.u32 s3, $0x7  }
0x8: {  	s12 =	simm.s32 $0x0;
	[sflag:s4] =	ssyncpa.u1 $0x0;
	s7 =	ssub.s32 $0xF4200, s3  }
0x9: {  	s13 =	simm.s32 $0x0;
	[sflag:s6] =	ssyncpa.u1 $0x0;
	s6 =	sshrl.u32 s7, $0xC  }
0xa: {  	s5 =	sadd.s32 $0x3600, s5;
	s11 =	smov.u32 s3;
	s7 =	sadd.s32 $0x2, s6  }
.LBB1_5:
0xb: {  	p1 =	slt.u32 s13, $0x2  }
0xc: {  	s17 =	smov.u32 s15;
	p2 =	sgt.s32 @!p1 s15, $0xF41C0;
	s16 =	sshra.s32 @!p1 s15, $0x1F  }
0xd: {  	p3 =	sgt.s32 @!p1 s14, $0x40;
	s18 =	sshra.s32 @!p1 s14, $0x1F;
	p2 =	por !p2, p1  }
0xe: {  	s15 =	sand.u32 @!p1 s16, s15;
	p3 =	por !p3, p1;
	s16 =	smov.u32 s14  }
0xf: {  	s14 =	sand.u32 @!p1 s18, s14;
	s17 =	simm.s32 @p2 $0xF41C0;
	s16 =	simm.s32 @p3 $0x40  }
0x10: {  	s15 =	ssub.s32 @!p1 s17, s15;
	s14 =	ssub.s32 @!p1 s16, s14  }
0x11: {  	s18 =	smov.u32 s12;
	s16 =	sadd.s32 @!p1 $0xFFF0BE40, s15;
	s17 =	sadd.s32 @!p1 $0xFFFFFFC0, s14  }
0x12: {  	s15 =	ssub.s32 @!p1 $0xF4240, s15;
	p2 =	sgt.s32 @!p1 s16, $0x7F;
	p3 =	sgt.s32 @!p1 s17, $0x3F  }
0x13: {  	s14 =	ssub.s32 @!p1 $0x80, s14;
	p2 =	por !p2, p1;
	p3 =	por !p3, p1  }
0x14: {  	s16 =	sadd.s32 $0x1000, s11;
	s15 =	simm.s32 @!p2 $0x0;
	s14 =	simm.s32 @!p3 $0x0  }
0x15: {  	p2 =	sgt.s32 s16, $0xF423F;
	s14 =	smul.u32 @!p1 s14, s15;
	s15 =	sadd.s32 $0x40, s12  }
0x16: {  	s18 =	smov.u32 @p2 s15  }
0x17: {  	s16 =	smov.u32 @p2 s3;
	p2 =	sgt.s32 s18, $0x3F  }
0x18: {  	s18 =	simm.s32 @p2 $0x0;
	p2 =	sne.s32 s13, s7  }
.Ltmp1:
0x19: {  	p0 =	por !p0, !p0;
	s17 =	simm.s32 @!p1 $0x2;
	(pc) =	sbr.rel @!p2 .LBB1_6-.Ltmp1, $4  }
0x1a: {  	s15 =	smov.u32 s9;
	s9 =	smov.u32 s11;
	s14 =	sand.u32 @!p1 $0x3FFFFFFF, s14  }
0x1b: {  	s11 =	smov.u32 s16;
	_ =	swait.ge @!p1 [sflag:s17], s14;
	s19 =	ssub.s32 @!p1 $0x0, s14  }
0x1c: {  	s14 =	smov.u32 s10;
	s13 =	sadd.s32 $0x1, s13;
	[sflag:s17] =	ssyncset.done @!p1 $0x0  }
0x1d: {  	s10 =	smov.u32 s12;
	s12 =	smov.u32 s18;
	[sflag:s17] =	ssyncadd.s32 @!p1 s19  }
.LBB1_1:
0x1e: {  	p1 =	sgt.u32 s13, s6  }
0x1f: {  	s16 =	sshrl.u32 @!p1 s12, $0x3  }
0x20: {  	s17 =	sshll.u32 @!p1 s11, $0x3;
	s16 =	smul.u32 @!p1 $0x7A1400, s16  }
0x21: {  	s18 =	sshll.u32 @!p1 s12, $0x7;
	s17 =	sand.u32 @!p1 $0xFFFFFC00, s17  }
0x22: {  	s16 =	sadd.s32 @!p1 s16, s17;
	s17 =	sand.u32 @!p1 $0x380, s18  }
0x23: {  	s18 =	sand.u32 @!p1 $0x7F, s11;
	s16 =	sor.u32 @!p1 s17, s16  }
0x24: {  	s17 =	sor.u32 @!p1 s18, s16  }
0x25: {  	s18 =	smulhi.u32 @!p1 $0x218D6287, s17;
	_ =	sdelay $0x1  }
0x26: {  	s16 =	smulhi.u32 @!p1 $0x218D6287, s16;
	s18 =	sshrl.u32 @!p1 s18, $0x11  }
0x27: {  	s18 =	smul.u32 @!p1 $0xF4280, s18  }
0x28: {  	s19 =	sxor.u32 @!p1 $0xFFFFFFFF, s13;
	s16 =	sshrl.u32 @!p1 s16, $0x11  }
0x29: {  	s19 =	sshll.u32 @!p1 s19, $0xD;
	s16 =	sand.u32 @!p1 $0x3F, s16;
	s17 =	ssub.s32 @!p1 s17, s18  }
0x2a: {  	s16 =	smul.u32 @!p1 $0x1E850, s16;
	s18 =	sshrl.u32 @!p1 s17, $0x3;
	s17 =	sand.u32 @!p1 $0x7, s17  }
0x2b: {  	s19 =	sand.u32 @!p1 $0x2000, s19;
	s18 =	sadd.s32 @!p1 s2, s18;
	s17 =	sshll.u32 @!p1 s17, $0x12  }
0x2c: {  	s16 =	sadd.s32 @!p1 s16, s18;
	s17 =	sor.u32 @!p1 $0x400, s17;
	s18 =	simm.s32 @!p1 $0x7A1400  }
0x2d: {  	[tilespmem:s19], [sflag:$0x1] =	stream.strided.gather @!p1 [hbm4b:s16+s17], $0x2000, s18, s17, $0x38;
	[tilespmem:$0x8100] =	vst v63  }
0x2e: {  	p1 =	seq.s32 s13, $0x0  }
0x2f: {  	p2 =	sge.u32 @!p1 s13, s7  }
0x30: {  	p1 =	por p1, p2  }
.Ltmp2:
0x31: {  	_ = 	snop;
	(pc) =	sbr.rel @p1 .LBB1_5-.Ltmp2, $1  }
0x32: {  	_ =	sdelay $0x3  }
0x33: {  	s16 =	simm.s32 $0x1  }
0x34: {  	_ =	swait.ge [sflag:s4], $0x2000;
	s16 =	simm.s32 @!p0 $0x0  }
0x35: {  	[sflag:s4] =	ssyncset.done $0x0;
	s17 =	sshll.u32 s16, $0xD  }
0x36: {  	[sflag:s4] =	ssyncadd.s32 $0xFFFFE000;
	s17 =	sor.u32 $0x40, s17  }
0x37: {  	s16 =	smul.u32 $0x8200, s16;
	v0 =	vld [tilespmem:s17+$0x30]  }
0x38: {  	v1 =	vld [tilespmem:s17+$0xFFFFFFD0]  }
0x39: {  	s16 =	sshrl.u32 s16, $0x2;
	v5 =	vld [tilespmem:s17+$0xFFFFFFE0]  }
0x3a: {  	v6 =	vld [tilespmem:s17+$0xFFFFFFF0];
	s19 =	sor.u32 $0x4000, s16  }
0x3b: {  	s31 =	sand.u32 $0x1, s13;
	v4 =	vld [tilespmem:s17+$0x0];
	s18 =	sadd.s32 $0x0, s19  }
0x3c: {  	v3 =	vld [tilespmem:s17+$0x10];
	s16 =	smul.u32 $0x8200, s31;
	[tilespmem:s18+$0x1C70 ss:$0x41] =	vst.msk $0xffff, v0  }
0x3d: {  	v2 =	vld [tilespmem:s17+$0x20];
	[tilespmem:s18+$0x410 ss:$0x41] =	vst.msk $0xffff, v1  }
0x3e: {  	s16 =	sshrl.u32 s16, $0x2;
	v1 =	vld [tilespmem:s17+$0xFFFFFFC0];
	[tilespmem:s18+$0x820 ss:$0x41] =	vst.msk $0xffff, v5;
	s17 =	sadd.s32 $0x80, s17  }
0x3f: {  	s20 =	simm.s32 $0x4;
	s21 =	simm.s32 $0x8;
	s16 =	sor.u32 $0x4000, s16;
	[tilespmem:s18+$0xC30 ss:$0x41] =	vst.msk $0xffff, v6;
	v0 =	vld [tilespmem:s17+$0x30]  }
.LBB1_3:
0x40: {  	p1 =	sne.s32 s21, $0xFC;
	v5 =	vld [tilespmem:s17+$0xFFFFFFD0];
	[tilespmem:s18+$0x1040 ss:$0x41] =	vst.msk $0xffff, v4  }
0x41: {  	v6 =	vld [tilespmem:s17+$0xFFFFFFE0];
	[tilespmem:s18+$0x1450 ss:$0x41] =	vst.msk $0xffff, v3  }
0x42: {  	s22 =	sshra.s32 s20, $0x2;
	s20 =	smov.u32 s21;
	v7 =	vld [tilespmem:s17+$0xFFFFFFF0];
	[tilespmem:s18+$0x1860 ss:$0x41] =	vst.msk $0xffff, v2  }
.Ltmp3:
0x43: {  	v4 =	vld [tilespmem:s17+$0x0];
	[tilespmem:s18+$0x0 ss:$0x41] =	vst.msk $0xffff, v1;
	s18 =	sadd.s32 s22, s19;
	(pc) =	sbr.rel @p1 .LBB1_3-.Ltmp3, $4  }
0x44: {  	v3 =	vld [tilespmem:s17+$0x10];
	[tilespmem:s18+$0x1C70 ss:$0x41] =	vst.msk $0xffff, v0  }
0x45: {  	[tilespmem:s18+$0x410 ss:$0x41] =	vst.msk $0xffff, v5;
	v2 =	vld [tilespmem:s17+$0x20]  }
0x46: {  	v1 =	vld [tilespmem:s17+$0xFFFFFFC0];
	[tilespmem:s18+$0x820 ss:$0x41] =	vst.msk $0xffff, v6;
	s17 =	sadd.s32 $0x80, s17  }
0x47: {  	s21 =	sadd.s32 $0x4, s21;
	v0 =	vld [tilespmem:s17+$0x30];
	[tilespmem:s18+$0xC30 ss:$0x41] =	vst.msk $0xffff, v7  }
0x48: {  	s21 =	sshll.u32 s9, $0x7;
	s22 =	sshll.u32 s10, $0x3;
	s20 =	sshra.s32 s20, $0x2  }
0x49: {  	p1 =	sgt.s32 s9, $0xF41C0;
	s30 =	sshra.s32 s9, $0x1F;
	s25 =	sshra.s32 s10, $0x1F  }
0x4a: {  	v5 =	vld [tilespmem:s17+$0xFFFFFFD0];
	s28 =	sshrl.u32 s10, $0x3;
	s23 =	sand.u32 $0xFFFFFC00, s21;
	s22 =	sand.u32 $0xFFFFFC00, s22  }
0x4b: {  	[tilespmem:s18+$0x1040 ss:$0x41] =	vst.msk $0xffff, v4;
	v58 =	vld [tilespmem:s17+$0xFFFFFFE0];
	s21 =	sand.u32 $0x380, s21;
	s19 =	sadd.s32 s20, s19;
	s22 =	sadd.s32 s22, s23  }
0x4c: {  	v59 =	vld [tilespmem:s17+$0xFFFFFFF0];
	[tilespmem:s18+$0x1450 ss:$0x41] =	vst.msk $0xffff, v3;
	s29 =	sor.u32 s21, s22;
	s21 =	smov.u32 s9;
	s22 =	sand.u32 s30, s9  }
0x4d: {  	v60 =	vld [tilespmem:s17+$0x0];
	[tilespmem:s18+$0x1860 ss:$0x41] =	vst.msk $0xffff, v2;
	s30 =	sand.u32 $0x7, s10;
	s20 =	sshrl.u32 s29, $0x7;
	s21 =	simm.s32 @!p1 $0xF41C0  }
0x4e: {  	v61 =	vld [tilespmem:s17+$0x10];
	[tilespmem:s18+$0x0 ss:$0x41] =	vst.msk $0xffff, v1;
	p1 =	sgt.s32 s10, $0x40;
	s24 =	ssub.s32 s21, s22;
	s21 =	smov.u32 s10  }
0x4f: {  	v62 =	vld [tilespmem:s17+$0x20];
	[tilespmem:s19+$0x1C70 ss:$0x41] =	vst.msk $0xffff, v0;
	s31 =	smulhi.u32 $0x218DEF5, s20;
	s22 =	sand.u32 s25, s10;
	s21 =	simm.s32 @!p1 $0x40  }
0x50: {  	v63 =	vld [tilespmem:s17+$0xFFFFFFC0];
	[tilespmem:s19+$0x410 ss:$0x41] =	vst.msk $0xffff, v5;
	s26 =	sadd.s32 $0xFFF0BE40, s24;
	s17 =	ssub.s32 $0xF4240, s24;
	s21 =	ssub.s32 s21, s22  }
0x51: {  	[tilespmem:s19+$0x820 ss:$0x41] =	vst.msk $0xffff, v58;
	s23 =	sshrl.u32 s31, $0xD;
	p1 =	sgt.s32 s26, $0x7F;
	s27 =	sadd.s32 $0xFFFFFFC0, s21  }
0x52: {  	[tilespmem:s19+$0xC30 ss:$0x41] =	vst.msk $0xffff, v59;
	s23 =	smul.u32 $0xF4240, s23;
	s18 =	ssub.s32 $0x80, s21;
	p2 =	sgt.s32 s27, $0x3F  }
.Ltmp4:
0x53: {  	[tilespmem:s19+$0x1040 ss:$0x41] =	vst.msk $0xffff, v60;
	s17 =	simm.s32 @p1 $0x0;
	s18 =	simm.s32 @p2 $0x0;
	(pc) =	sbr.rel .LBB1_5-.Ltmp4, $4  }
0x54: {  	s29 =	sand.u32 $0xF, s28;
	[tilespmem:s19+$0x1450 ss:$0x41] =	vst.msk $0xffff, v61;
	s20 =	ssub.s32 s20, s23;
	s17 =	smul.u32 s18, s17  }
0x55: {  	[tilespmem:s19+$0x1860 ss:$0x41] =	vst.msk $0xffff, v62;
	s21 =	sshll.u32 s30, $0x12;
	s20 =	sshll.u32 s20, $0x4;
	s18 =	sadd.s32 s5, s29  }
0x56: {  	[tilespmem:s19+$0x0 ss:$0x41] =	vst.msk $0xffff, v63;
	s31 =	sor.u32 $0x40, s21;
	s18 =	sadd.s32 s20, s18;
	s17 =	sand.u32 $0x3FFFFFFF, s17  }
0x57: {  	[hbm4b:s18+s31] =	stream.strided.scatter [tilespmem:s16], [sflag:$0x2], s17, s8, s31, $0x18;
	[tilespmem:$0x8100] =	vst v63  }
.LBB1_6:
0x58: {  	_ =	sfence.sel $0x180000  }
0x59: {  	s2 =	simm.s32 $0x1;
	[bflag:$0x0] =	sbarrier.arrive $0xFFFF  }
0x5a: {  	s31 =	simm.s32 $0x2;
	[sflag:s2] =	ssyncpa.u1 $0x1  }
0x5b: {  	[sflag:s31] =	ssyncpa.u1 $0x1  }
0x5c: {  	p0 =	sne.s32 s1, $0x0;
	_ =	strace $0x90000047  }
0x5d: {  	s0 =	sadd.s32 @!p0 $0x100000, s0;
	[bflag:$0x2] =	sbarrier.arrive $0xFFFF  }
0x5e: {  	[sflag:s0] =	ssyncadd.tile.s32 @!p0 $0x1;
	_ =	shalt  }
.Lfunc_end1:
_tile_overlayer_lowered:
.L_overlay_start_2:
0x5f: {  	(tag) =	ssettag $0x2  }
0x60: {  	s0 =	rddreg [dreg:$0x0];
	s2 =	stileid.u32  }
0x61: {  	s1 =	rddreg [dreg:$0x1];
	p0 =	sne.s32 s2, $0x0  }
0x62: {  	s3 =	rddreg [dreg:$0x2];
	[bflag:$0x3] =	sbarrier.arrive $0xFFFF;
	s2 =	simm.s32 @!p0 $0x1C01  }
0x63: {  	[timem:s3], [sflag:s2] =	dma.local @!p0 [hbm:s0], s1  }
0x64: {  	s0 =	simm.s32 @!p0 $0x1  }
0x65: {  	_ =	swait.ge @!p0 [sflag:s0], s1  }
0x66: {  	s1 =	ssub.s32 @!p0 $0x0, s1;
	[sflag:s0] =	ssyncset.done @!p0 $0x0  }
0x67: {  	[sflag:s0] =	ssyncadd.s32 @!p0 s1  }
0x68: {  	[bflag:$0x3] =	sbarrier.arrive $0xFFFF  }
0x69: {  	_ =	shalt  }

</sc_bundles>
